<compile_context>
chip_gen: v7x
topology: tpu7x:2x2x1
jax: 0.10.2.dev20260603
libtpu: 0.0.44.dev20260713+nightly
codegen_flags: <defaults>
</compile_context>

<pallas_src>
import functools

import jax
import jax.numpy as jnp
from jax import lax
from jax.experimental import pallas as pl
from jax.experimental.pallas import tpu as pltpu
from jax.experimental.pallas import tpu_sc as plsc

N_NODES = 10000
N_EDGES = 320000
N_GRAPHS = 64
D = 128
HID = 256
NUM_LAYERS = 5

NC = 2
NS = 16
NW = NC * NS

EDGES_PER_W = N_EDGES // NW
CHUNK = 128
NCHUNK = 79
EDGES_PAD = NCHUNK * CHUNK

ROWS_PAD = 10240
RPW = ROWS_PAD // NS
DUMMY_ROW = N_NODES

ROW_BLK = 2000
N_BLOCKS = N_NODES // ROW_BLK



def _make_sc_agg():
    mesh = plsc.VectorSubcoreMesh(core_axis_name="c", subcore_axis_name="s")

    @functools.partial(
        pl.kernel,
        mesh=mesh,
        out_type=jax.ShapeDtypeStruct((NC, ROWS_PAD, D), jnp.float32),
        scratch_types=[
            pltpu.VMEM((NCHUNK, CHUNK), jnp.int32),
            pltpu.VMEM((NCHUNK, CHUNK), jnp.int32),
            pltpu.VMEM((CHUNK, D), jnp.float32),
            pltpu.VMEM_SHARED((ROWS_PAD, D), jnp.float32),
            pltpu.SemaphoreType.DMA,
        ],
    )
    def sc_agg(h_hbm, srcw_hbm, dstw_hbm, zeros_hbm, out_hbm,
               src_v, dst_v, rows_v, acc, sem):
        c = lax.axis_index("c")
        s = lax.axis_index("s")
        wid = c * NS + s

        pltpu.sync_copy(zeros_hbm.at[pl.ds(s * RPW, RPW)],
                        acc.at[pl.ds(s * RPW, RPW)])
        plsc.subcore_barrier()

        pltpu.sync_copy(srcw_hbm.at[wid], src_v)
        pltpu.sync_copy(dstw_hbm.at[wid], dst_v)

        @pl.loop(0, NCHUNK)
        def _(j):
            pltpu.async_copy(h_hbm.at[src_v.at[j]], rows_v, sem).wait()
            pltpu.sync_copy(rows_v, acc.at[dst_v.at[j]], add=True)

        plsc.subcore_barrier()
        pltpu.sync_copy(acc.at[pl.ds(s * RPW, RPW)],
                        out_hbm.at[c, pl.ds(s * RPW, RPW)])

    return sc_agg


_sc_agg = _make_sc_agg()



def _mid_body(h_ref, parts_ref, w1_ref, b1_ref, w2_ref, b2_ref,
              eps_ref, ws_ref, out_ref):
    m = h_ref[...] * (1.0 + eps_ref[...]) + parts_ref[0] + parts_ref[1]
    t = jnp.dot(m, w1_ref[...], preferred_element_type=jnp.float32)
    t = jnp.maximum(t + b1_ref[...], 0.0)
    n = jnp.dot(t, w2_ref[...], preferred_element_type=jnp.float32)
    n = jnp.maximum(n + b2_ref[...], 0.0)
    score = jnp.tanh(jnp.dot(n, ws_ref[...], preferred_element_type=jnp.float32))
    out_ref[...] = n * score


def _tc_mid(h, parts, w1, b1, w2, b2, epsl, ws_col):
    return pl.pallas_call(
        _mid_body,
        grid=(N_BLOCKS,),
        in_specs=[
            pl.BlockSpec((ROW_BLK, D), lambda i: (i, 0)),
            pl.BlockSpec((NC, ROW_BLK, D), lambda i: (0, i, 0)),
            pl.BlockSpec((D, HID), lambda i: (0, 0)),
            pl.BlockSpec((1, HID), lambda i: (0, 0)),
            pl.BlockSpec((HID, D), lambda i: (0, 0)),
            pl.BlockSpec((1, D), lambda i: (0, 0)),
            pl.BlockSpec((1, 1), lambda i: (0, 0)),
            pl.BlockSpec((D, 1), lambda i: (0, 0)),
        ],
        out_specs=pl.BlockSpec((ROW_BLK, D), lambda i: (i, 0)),
        out_shape=jax.ShapeDtypeStruct((N_NODES, D), jnp.float32),
    )(h, parts, w1, b1, w2, b2, epsl, ws_col)


def _last_body(h_ref, parts_ref, w1_ref, b1_ref, w2_ref, b2_ref,
               eps_ref, ws_ref, batch_ref, wp_ref, bp_ref,
               pooled_ref, out_ref):
    i = pl.program_id(0)
    m = h_ref[...] * (1.0 + eps_ref[...]) + parts_ref[0] + parts_ref[1]
    t = jnp.dot(m, w1_ref[...], preferred_element_type=jnp.float32)
    t = jnp.maximum(t + b1_ref[...], 0.0)
    n = jnp.dot(t, w2_ref[...], preferred_element_type=jnp.float32)
    n = n + b2_ref[...]
    score = jnp.tanh(jnp.dot(n, ws_ref[...], preferred_element_type=jnp.float32))
    hout = n * score
    bt = jnp.reshape(batch_ref[...], (1, ROW_BLK))
    onehot_t = (lax.broadcasted_iota(jnp.int32, (N_GRAPHS, ROW_BLK), 0)
                == bt).astype(jnp.float32)
    contrib = jnp.dot(onehot_t, hout, preferred_element_type=jnp.float32,
                      precision=lax.Precision.HIGHEST)

    @pl.when(i == 0)
    def _():
        pooled_ref[...] = contrib

    @pl.when(i != 0)
    def _():
        pooled_ref[...] += contrib

    @pl.when(i == N_BLOCKS - 1)
    def _():
        hg = pooled_ref[...]
        out_ref[...] = (jnp.dot(hg, wp_ref[...],
                                preferred_element_type=jnp.float32)
                        + bp_ref[...])


def _tc_last(h, parts, w1, b1, w2, b2, epsl, ws_col, batch3, wp_row, bp2):
    pooled, out = pl.pallas_call(
        _last_body,
        grid=(N_BLOCKS,),
        in_specs=[
            pl.BlockSpec((ROW_BLK, D), lambda i: (i, 0)),
            pl.BlockSpec((NC, ROW_BLK, D), lambda i: (0, i, 0)),
            pl.BlockSpec((D, HID), lambda i: (0, 0)),
            pl.BlockSpec((1, HID), lambda i: (0, 0)),
            pl.BlockSpec((HID, D), lambda i: (0, 0)),
            pl.BlockSpec((1, D), lambda i: (0, 0)),
            pl.BlockSpec((1, 1), lambda i: (0, 0)),
            pl.BlockSpec((D, 1), lambda i: (0, 0)),
            pl.BlockSpec((1, 1, ROW_BLK), lambda i: (i, 0, 0)),
            pl.BlockSpec((D, 1), lambda i: (0, 0)),
            pl.BlockSpec((1, 1), lambda i: (0, 0)),
        ],
        out_specs=[
            pl.BlockSpec((N_GRAPHS, D), lambda i: (0, 0)),
            pl.BlockSpec((N_GRAPHS, 1), lambda i: (0, 0)),
        ],
        out_shape=[
            jax.ShapeDtypeStruct((N_GRAPHS, D), jnp.float32),
            jax.ShapeDtypeStruct((N_GRAPHS, 1), jnp.float32),
        ],
    )(h, parts, w1, b1, w2, b2, epsl, ws_col, batch3, wp_row, bp2)
    del pooled
    return out



def kernel(x, edge_index, batch, W1, b1, W2, b2, eps, w_score, Wp, bp):
    src = edge_index[0]
    dst = edge_index[1]

    srcw = jnp.pad(src.reshape(NW, EDGES_PER_W),
                   ((0, 0), (0, EDGES_PAD - EDGES_PER_W)),
                   constant_values=0).reshape(NW, NCHUNK, CHUNK)
    pad_dst = jnp.broadcast_to(
        DUMMY_ROW + jnp.arange(NW, dtype=jnp.int32)[:, None],
        (NW, EDGES_PAD - EDGES_PER_W))
    dstw = jnp.concatenate(
        [dst.reshape(NW, EDGES_PER_W), pad_dst], axis=1
    ).reshape(NW, NCHUNK, CHUNK)
    zeros = jnp.zeros((ROWS_PAD, D), jnp.float32)
    batch3 = batch.reshape(N_BLOCKS, 1, ROW_BLK)
    wp_row = Wp
    bp2 = bp.reshape(1, 1)

    h = x
    for l in range(NUM_LAYERS):
        parts = _sc_agg(h, srcw, dstw, zeros)
        w1 = W1[l]
        b1l = b1[l].reshape(1, HID)
        w2 = W2[l]
        b2l = b2[l].reshape(1, D)
        epsl = eps[l].reshape(1, 1)
        ws_col = w_score[l].reshape(D, 1)
        if l < NUM_LAYERS - 1:
            h = _tc_mid(h, parts, w1, b1l, w2, b2l, epsl, ws_col)
        else:
            out = _tc_last(h, parts, w1, b1l, w2, b2l, epsl, ws_col,
                           batch3, wp_row, bp2)
    return out

# --- scband reference (transcript-rebuilt; emitter-appended) ---
"""Pipeline reference for scband-hierarchical-gnn-72387378807009 (READ-ONLY COPY).

The authoritative reference and input builder live on the scoring server;
editing this copy changes nothing except your own understanding.
"""

import jax, jax.numpy as jnp
import numpy as np

NUM_LAYERS = 5
EMB_DIM = 128
HID = 2 * EMB_DIM
NUM_TASKS = 1
N_NODES = 10000
N_EDGES = 320000
N_GRAPHS = 64


def setup_inputs(seed: int = 0) -> dict:
    key = jax.random.key(seed)
    ks = jax.random.split(key, 12)
    x = jax.random.normal(ks[0], (N_NODES, EMB_DIM), dtype=jnp.float32)
    edge_index = jax.random.randint(ks[1], (2, N_EDGES), 0, N_NODES, dtype=jnp.int32)
    batch = jnp.sort(jax.random.randint(ks[2], (N_NODES,), 0, N_GRAPHS, dtype=jnp.int32))
    W1 = jax.random.normal(ks[3], (NUM_LAYERS, EMB_DIM, HID), dtype=jnp.float32) / np.sqrt(EMB_DIM)
    b1 = jnp.zeros((NUM_LAYERS, HID), dtype=jnp.float32)
    W2 = jax.random.normal(ks[4], (NUM_LAYERS, HID, EMB_DIM), dtype=jnp.float32) / np.sqrt(HID)
    b2 = jnp.zeros((NUM_LAYERS, EMB_DIM), dtype=jnp.float32)
    eps = jnp.zeros((NUM_LAYERS,), dtype=jnp.float32)
    w_score = jax.random.normal(ks[5], (NUM_LAYERS, EMB_DIM), dtype=jnp.float32) / np.sqrt(EMB_DIM)
    Wp = jax.random.normal(ks[6], (EMB_DIM, NUM_TASKS), dtype=jnp.float32) / np.sqrt(EMB_DIM)
    bp = jnp.zeros((NUM_TASKS,), dtype=jnp.float32)
    return {"x": x, "edge_index": edge_index, "batch": batch, "W1": W1, "b1": b1,
            "W2": W2, "b2": b2, "eps": eps, "w_score": w_score, "Wp": Wp, "bp": bp}


def reference(x, edge_index, batch, W1, b1, W2, b2, eps, w_score, Wp, bp):
    # HierarchicalGNN forward: stack of GIN convs (HierarchicalNode) with
    # SAG-style learned score gating per layer, JK='last', global_add_pool,
    # then graph_pred_linear. training-mode path (no clamp), drop_ratio=0.
    src = edge_index[0]
    dst = edge_index[1]
    h = x
    for l in range(NUM_LAYERS):
        # GIN message passing: scatter-add of neighbor features
        agg = jnp.zeros_like(h).at[dst].add(h[src])
        m = (1.0 + eps[l]) * h + agg
        # GIN MLP: Linear(d, 2d) -> ReLU -> Linear(2d, d)
        m = jnp.dot(m, W1[l]) + b1[l]
        m = jax.nn.relu(m)
        m = jnp.dot(m, W2[l]) + b2[l]
        if l != NUM_LAYERS - 1:
            m = jax.nn.relu(m)
        # SAG pooling attention score (soft gating)
        score = jnp.tanh(jnp.dot(m, w_score[l]))
        h = m * score[:, None]
    # global_add_pool over batch assignment (b_list[-1])
    h_graph = jax.ops.segment_sum(h, batch, num_segments=N_GRAPHS)
    out = jnp.dot(h_graph, Wp) + bp
    return out

if __name__ == "__main__":
    import jax
    _d = setup_inputs()
    print(jax.jit(kernel)(*tuple(_d.values())))

</pallas_src>

<mosaic_0001>
#map = affine_map<(d0, d1) -> (0, 0)>
#map1 = affine_map<(d0, d1) -> (0, 0, 0)>
module attributes {stable_mosaic.version = 14 : i64} {
  func.func @sc_agg(%arg0: i32, %arg1: i32, %arg2: memref<10000x128xf32, #tpu.memory_space<hbm>>, %arg3: memref<32x79x128xi32, #tpu.memory_space<hbm>>, %arg4: memref<32x79x128xi32, #tpu.memory_space<hbm>>, %arg5: memref<10240x128xf32, #tpu.memory_space<hbm>>, %arg6: memref<2x10240x128xf32, #tpu.memory_space<hbm>>, %arg7: memref<79x128xi32, #tpu.memory_space<vmem>>, %arg8: memref<79x128xi32, #tpu.memory_space<vmem>>, %arg9: memref<128x128xf32, #tpu.memory_space<vmem>>, %arg10: memref<10240x128xf32, #tpu.memory_space<vmem_shared>>, %arg11: memref<!tpu.dma_semaphore, #tpu.memory_space<semaphore_mem>>) attributes {dimension_semantics = [#tpu.dimension_semantics<core_parallel>, #tpu.dimension_semantics<subcore_parallel>], iteration_bounds = array<i64: 2, 16>, scalar_prefetch = 0 : i64, scratch_operands = 5 : i64, tpu.core_type = #tpu.core_type<sc_vector_subcore>, window_params = [{transform_indices = #map}, {transform_indices = #map1}, {transform_indices = #map1}, {transform_indices = #map}, {transform_indices = #map1}]} {
    %mul3A = arith.constant 16 : i32
    %mul3A_0 = arith.muli %arg0, %mul3A : i32
    %add3A = arith.addi %mul3A_0, %arg1 : i32
    %mul3A_1 = arith.constant 640 : i32
    %mul3A_2 = arith.muli %arg1, %mul3A_1 : i32
    %mul3A_3 = arith.constant 640 : i32
    %mul3A_4 = arith.muli %arg1, %mul3A_3 : i32
    "tpu.region"() ({
      %run_scoped3A = tpu.sem_alloc : memref<!tpu.dma_semaphore, #tpu.memory_space<semaphore_mem>>
      %dma_start3A = arith.constant 0 : i32
      %dma_start3A_14 = tpu.memref_slice %arg10[%mul3A_4, %dma_start3A] : memref<10240x128xf32, #tpu.memory_space<vmem_shared>> -> memref<640x128xf32, #tpu.memory_space<vmem_shared>>
      %dma_start3A_15 = arith.constant 0 : i32
      %dma_start3A_16 = tpu.memref_slice %arg5[%mul3A_2, %dma_start3A_15] : memref<10240x128xf32, #tpu.memory_space<hbm>> -> memref<640x128xf32, #tpu.memory_space<hbm>>
      tpu.enqueue_dma source(%dma_start3A_16 : memref<640x128xf32, #tpu.memory_space<hbm>>) target(%dma_start3A_14 : memref<640x128xf32, #tpu.memory_space<vmem_shared>>) target_semaphore(%run_scoped3A : memref<!tpu.dma_semaphore, #tpu.memory_space<semaphore_mem>>)
      %dma_wait3A = arith.constant 0 : i32
      %dma_wait3A_17 = tpu.memref_slice %arg10[%mul3A_4, %dma_wait3A] : memref<10240x128xf32, #tpu.memory_space<vmem_shared>> -> memref<640x128xf32, #tpu.memory_space<vmem_shared>>
      %dma_wait3A_18 = arith.constant 0 : i32
      %dma_wait3A_19 = tpu.memref_slice %arg5[%mul3A_2, %dma_wait3A_18] : memref<10240x128xf32, #tpu.memory_space<hbm>> -> memref<640x128xf32, #tpu.memory_space<hbm>>
      tpu.wait_dma2 semaphore(%run_scoped3A : memref<!tpu.dma_semaphore, #tpu.memory_space<semaphore_mem>>) src(%dma_wait3A_19 : memref<640x128xf32, #tpu.memory_space<hbm>>) dst(%dma_wait3A_17 : memref<640x128xf32, #tpu.memory_space<vmem_shared>>)
      tpu.yield
    }) : () -> ()
    %barrier3A = arith.constant 0 : index
    tpu.barrier barrier_id(%barrier3A)
    "tpu.region"() ({
      %run_scoped3A = tpu.sem_alloc : memref<!tpu.dma_semaphore, #tpu.memory_space<semaphore_mem>>
      %dma_start3A = arith.constant 0 : i32
      %dma_start3A_14 = arith.constant 0 : i32
      %dma_start3A_15 = tpu.memref_slice %arg3[%add3A, %dma_start3A, %dma_start3A_14] : memref<32x79x128xi32, #tpu.memory_space<hbm>> -> memref<1x79x128xi32, #tpu.memory_space<hbm>>
      %dma_start3A_16 = tpu.memref_squeeze %dma_start3A_15 : memref<1x79x128xi32, #tpu.memory_space<hbm>> -> memref<79x128xi32, #tpu.memory_space<hbm>>
      %dma_start3A_17 = arith.constant 0 : i32
      %dma_start3A_18 = arith.constant 0 : i32
      %dma_start3A_19 = tpu.memref_slice %arg3[%add3A, %dma_start3A_17, %dma_start3A_18] : memref<32x79x128xi32, #tpu.memory_space<hbm>> -> memref<1x79x128xi32, #tpu.memory_space<hbm>>
      %dma_start3A_20 = tpu.memref_squeeze %dma_start3A_19 : memref<1x79x128xi32, #tpu.memory_space<hbm>> -> memref<79x128xi32, #tpu.memory_space<hbm>>
      tpu.enqueue_dma source(%dma_start3A_20 : memref<79x128xi32, #tpu.memory_space<hbm>>) target(%arg7 : memref<79x128xi32, #tpu.memory_space<vmem>>) target_semaphore(%run_scoped3A : memref<!tpu.dma_semaphore, #tpu.memory_space<semaphore_mem>>)
      %dma_wait3A = arith.constant 0 : i32
      %dma_wait3A_21 = arith.constant 0 : i32
      %dma_wait3A_22 = tpu.memref_slice %arg3[%add3A, %dma_wait3A, %dma_wait3A_21] : memref<32x79x128xi32, #tpu.memory_space<hbm>> -> memref<1x79x128xi32, #tpu.memory_space<hbm>>
      %dma_wait3A_23 = tpu.memref_squeeze %dma_wait3A_22 : memref<1x79x128xi32, #tpu.memory_space<hbm>> -> memref<79x128xi32, #tpu.memory_space<hbm>>
      %dma_wait3A_24 = arith.constant 0 : i32
      %dma_wait3A_25 = arith.constant 0 : i32
      %dma_wait3A_26 = tpu.memref_slice %arg3[%add3A, %dma_wait3A_24, %dma_wait3A_25] : memref<32x79x128xi32, #tpu.memory_space<hbm>> -> memref<1x79x128xi32, #tpu.memory_space<hbm>>
      %dma_wait3A_27 = tpu.memref_squeeze %dma_wait3A_26 : memref<1x79x128xi32, #tpu.memory_space<hbm>> -> memref<79x128xi32, #tpu.memory_space<hbm>>
      tpu.wait_dma2 semaphore(%run_scoped3A : memref<!tpu.dma_semaphore, #tpu.memory_space<semaphore_mem>>) src(%dma_wait3A_27 : memref<79x128xi32, #tpu.memory_space<hbm>>) dst(%arg7 : memref<79x128xi32, #tpu.memory_space<vmem>>)
      tpu.yield
    }) : () -> ()
    "tpu.region"() ({
      %run_scoped3A = tpu.sem_alloc : memref<!tpu.dma_semaphore, #tpu.memory_space<semaphore_mem>>
      %dma_start3A = arith.constant 0 : i32
      %dma_start3A_14 = arith.constant 0 : i32
      %dma_start3A_15 = tpu.memref_slice %arg4[%add3A, %dma_start3A, %dma_start3A_14] : memref<32x79x128xi32, #tpu.memory_space<hbm>> -> memref<1x79x128xi32, #tpu.memory_space<hbm>>
      %dma_start3A_16 = tpu.memref_squeeze %dma_start3A_15 : memref<1x79x128xi32, #tpu.memory_space<hbm>> -> memref<79x128xi32, #tpu.memory_space<hbm>>
      %dma_start3A_17 = arith.constant 0 : i32
      %dma_start3A_18 = arith.constant 0 : i32
      %dma_start3A_19 = tpu.memref_slice %arg4[%add3A, %dma_start3A_17, %dma_start3A_18] : memref<32x79x128xi32, #tpu.memory_space<hbm>> -> memref<1x79x128xi32, #tpu.memory_space<hbm>>
      %dma_start3A_20 = tpu.memref_squeeze %dma_start3A_19 : memref<1x79x128xi32, #tpu.memory_space<hbm>> -> memref<79x128xi32, #tpu.memory_space<hbm>>
      tpu.enqueue_dma source(%dma_start3A_20 : memref<79x128xi32, #tpu.memory_space<hbm>>) target(%arg8 : memref<79x128xi32, #tpu.memory_space<vmem>>) target_semaphore(%run_scoped3A : memref<!tpu.dma_semaphore, #tpu.memory_space<semaphore_mem>>)
      %dma_wait3A = arith.constant 0 : i32
      %dma_wait3A_21 = arith.constant 0 : i32
      %dma_wait3A_22 = tpu.memref_slice %arg4[%add3A, %dma_wait3A, %dma_wait3A_21] : memref<32x79x128xi32, #tpu.memory_space<hbm>> -> memref<1x79x128xi32, #tpu.memory_space<hbm>>
      %dma_wait3A_23 = tpu.memref_squeeze %dma_wait3A_22 : memref<1x79x128xi32, #tpu.memory_space<hbm>> -> memref<79x128xi32, #tpu.memory_space<hbm>>
      %dma_wait3A_24 = arith.constant 0 : i32
      %dma_wait3A_25 = arith.constant 0 : i32
      %dma_wait3A_26 = tpu.memref_slice %arg4[%add3A, %dma_wait3A_24, %dma_wait3A_25] : memref<32x79x128xi32, #tpu.memory_space<hbm>> -> memref<1x79x128xi32, #tpu.memory_space<hbm>>
      %dma_wait3A_27 = tpu.memref_squeeze %dma_wait3A_26 : memref<1x79x128xi32, #tpu.memory_space<hbm>> -> memref<79x128xi32, #tpu.memory_space<hbm>>
      tpu.wait_dma2 semaphore(%run_scoped3A : memref<!tpu.dma_semaphore, #tpu.memory_space<semaphore_mem>>) src(%dma_wait3A_27 : memref<79x128xi32, #tpu.memory_space<hbm>>) dst(%arg8 : memref<79x128xi32, #tpu.memory_space<vmem>>)
      tpu.yield
    }) : () -> ()
    %scan3A = arith.constant 0 : i32
    %scan3A_5 = arith.constant 79 : i32
    %scan3A_6 = arith.addi %scan3A, %scan3A_5 : i32
    %scan3A_7 = arith.constant 1 : i32
    scf.for %scan3A_14 = %scan3A to %scan3A_6 step %scan3A_7  : i32 {
      %mul3A_15 = arith.constant 1 : i32
      %mul3A_16 = arith.muli %scan3A_14, %mul3A_15 : i32
      %add3A_17 = arith.constant 0 : i32
      %add3A_18 = arith.addi %add3A_17, %mul3A_16 : i32
      %dma_start3A = arith.constant 0 : i32
      %dma_start3A_19 = tpu.memref_slice %arg7[%add3A_18, %dma_start3A] : memref<79x128xi32, #tpu.memory_space<vmem>> -> memref<1x128xi32, #tpu.memory_space<vmem>>
      %dma_start3A_20 = tpu.memref_squeeze %dma_start3A_19 : memref<1x128xi32, #tpu.memory_space<vmem>> -> memref<128xi32, #tpu.memory_space<vmem>>
      %dma_start3A_21 = arith.constant 0 : i32
      %dma_start3A_22 = arith.constant 0 : i32
      %dma_start3A_23 = tpu.memref_slice %arg2[%dma_start3A_21, %dma_start3A_22] : memref<10000x128xf32, #tpu.memory_space<hbm>> -> memref<10000x128xf32, #tpu.memory_space<hbm>>
      tpu.enqueue_indirect_dma source(%dma_start3A_23 : memref<10000x128xf32, #tpu.memory_space<hbm>>) target(%arg9 : memref<128x128xf32, #tpu.memory_space<vmem>>) offsets(%dma_start3A_20 : memref<128xi32, #tpu.memory_space<vmem>>) semaphore(%arg11 : memref<!tpu.dma_semaphore, #tpu.memory_space<semaphore_mem>>)
      %dma_wait3A = arith.constant 0 : i32
      %dma_wait3A_24 = tpu.memref_slice %arg7[%add3A_18, %dma_wait3A] : memref<79x128xi32, #tpu.memory_space<vmem>> -> memref<1x128xi32, #tpu.memory_space<vmem>>
      %dma_wait3A_25 = tpu.memref_squeeze %dma_wait3A_24 : memref<1x128xi32, #tpu.memory_space<vmem>> -> memref<128xi32, #tpu.memory_space<vmem>>
      %dma_wait3A_26 = arith.constant 0 : i32
      %dma_wait3A_27 = arith.constant 0 : i32
      %dma_wait3A_28 = tpu.memref_slice %arg2[%dma_wait3A_26, %dma_wait3A_27] : memref<10000x128xf32, #tpu.memory_space<hbm>> -> memref<10000x128xf32, #tpu.memory_space<hbm>>
      tpu.wait_indirect_dma semaphore(%arg11 : memref<!tpu.dma_semaphore, #tpu.memory_space<semaphore_mem>>) src(%dma_wait3A_28 : memref<10000x128xf32, #tpu.memory_space<hbm>>) dst(%arg9 : memref<128x128xf32, #tpu.memory_space<vmem>>)
      "tpu.region"() ({
        %run_scoped3A = tpu.sem_alloc : memref<!tpu.dma_semaphore, #tpu.memory_space<semaphore_mem>>
        %dma_start3A_29 = arith.constant 0 : i32
        %dma_start3A_30 = tpu.memref_slice %arg8[%add3A_18, %dma_start3A_29] : memref<79x128xi32, #tpu.memory_space<vmem>> -> memref<1x128xi32, #tpu.memory_space<vmem>>
        %dma_start3A_31 = tpu.memref_squeeze %dma_start3A_30 : memref<1x128xi32, #tpu.memory_space<vmem>> -> memref<128xi32, #tpu.memory_space<vmem>>
        %dma_start3A_32 = arith.constant 0 : i32
        %dma_start3A_33 = arith.constant 0 : i32
        %dma_start3A_34 = tpu.memref_slice %arg10[%dma_start3A_32, %dma_start3A_33] : memref<10240x128xf32, #tpu.memory_space<vmem_shared>> -> memref<10240x128xf32, #tpu.memory_space<vmem_shared>>
        tpu.enqueue_indirect_dma source(%arg9 : memref<128x128xf32, #tpu.memory_space<vmem>>) target(%dma_start3A_34 : memref<10240x128xf32, #tpu.memory_space<vmem_shared>>) offsets(%dma_start3A_31 : memref<128xi32, #tpu.memory_space<vmem>>) semaphore(%run_scoped3A : memref<!tpu.dma_semaphore, #tpu.memory_space<semaphore_mem>>) {add = true}
        %dma_wait3A_35 = arith.constant 0 : i32
        %dma_wait3A_36 = tpu.memref_slice %arg8[%add3A_18, %dma_wait3A_35] : memref<79x128xi32, #tpu.memory_space<vmem>> -> memref<1x128xi32, #tpu.memory_space<vmem>>
        %dma_wait3A_37 = tpu.memref_squeeze %dma_wait3A_36 : memref<1x128xi32, #tpu.memory_space<vmem>> -> memref<128xi32, #tpu.memory_space<vmem>>
        %dma_wait3A_38 = arith.constant 0 : i32
        %dma_wait3A_39 = arith.constant 0 : i32
        %dma_wait3A_40 = tpu.memref_slice %arg10[%dma_wait3A_38, %dma_wait3A_39] : memref<10240x128xf32, #tpu.memory_space<vmem_shared>> -> memref<10240x128xf32, #tpu.memory_space<vmem_shared>>
        tpu.wait_indirect_dma semaphore(%run_scoped3A : memref<!tpu.dma_semaphore, #tpu.memory_space<semaphore_mem>>) src(%arg9 : memref<128x128xf32, #tpu.memory_space<vmem>>) dst(%dma_wait3A_40 : memref<10240x128xf32, #tpu.memory_space<vmem_shared>>)
        tpu.yield
      }) : () -> ()
    }
    %scan3A_8 = arith.constant 79 : i32
    %barrier3A_9 = arith.constant 0 : index
    tpu.barrier barrier_id(%barrier3A_9)
    %mul3A_10 = arith.constant 640 : i32
    %mul3A_11 = arith.muli %arg1, %mul3A_10 : i32
    %mul3A_12 = arith.constant 640 : i32
    %mul3A_13 = arith.muli %arg1, %mul3A_12 : i32
    "tpu.region"() ({
      %run_scoped3A = tpu.sem_alloc : memref<!tpu.dma_semaphore, #tpu.memory_space<semaphore_mem>>
      %dma_start3A = arith.constant 0 : i32
      %dma_start3A_14 = tpu.memref_slice %arg6[%arg0, %mul3A_13, %dma_start3A] : memref<2x10240x128xf32, #tpu.memory_space<hbm>> -> memref<1x640x128xf32, #tpu.memory_space<hbm>>
      %dma_start3A_15 = tpu.memref_squeeze %dma_start3A_14 : memref<1x640x128xf32, #tpu.memory_space<hbm>> -> memref<640x128xf32, #tpu.memory_space<hbm>>
      %dma_start3A_16 = arith.constant 0 : i32
      %dma_start3A_17 = tpu.memref_slice %arg10[%mul3A_11, %dma_start3A_16] : memref<10240x128xf32, #tpu.memory_space<vmem_shared>> -> memref<640x128xf32, #tpu.memory_space<vmem_shared>>
      tpu.enqueue_dma source(%dma_start3A_17 : memref<640x128xf32, #tpu.memory_space<vmem_shared>>) target(%dma_start3A_15 : memref<640x128xf32, #tpu.memory_space<hbm>>) target_semaphore(%run_scoped3A : memref<!tpu.dma_semaphore, #tpu.memory_space<semaphore_mem>>)
      %dma_wait3A = arith.constant 0 : i32
      %dma_wait3A_18 = tpu.memref_slice %arg6[%arg0, %mul3A_13, %dma_wait3A] : memref<2x10240x128xf32, #tpu.memory_space<hbm>> -> memref<1x640x128xf32, #tpu.memory_space<hbm>>
      %dma_wait3A_19 = tpu.memref_squeeze %dma_wait3A_18 : memref<1x640x128xf32, #tpu.memory_space<hbm>> -> memref<640x128xf32, #tpu.memory_space<hbm>>
      %dma_wait3A_20 = arith.constant 0 : i32
      %dma_wait3A_21 = tpu.memref_slice %arg10[%mul3A_11, %dma_wait3A_20] : memref<10240x128xf32, #tpu.memory_space<vmem_shared>> -> memref<640x128xf32, #tpu.memory_space<vmem_shared>>
      tpu.wait_dma2 semaphore(%run_scoped3A : memref<!tpu.dma_semaphore, #tpu.memory_space<semaphore_mem>>) src(%dma_wait3A_21 : memref<640x128xf32, #tpu.memory_space<vmem_shared>>) dst(%dma_wait3A_19 : memref<640x128xf32, #tpu.memory_space<hbm>>)
      tpu.yield
    }) : () -> ()
    return
  }
}

#map = affine_map<(d0, d1) -> (0, 0)>
#map1 = affine_map<(d0, d1) -> (0, 0, 0)>
module attributes {stable_mosaic.version = 14 : i64} {
  func.func @sc_agg(%arg0: i32, %arg1: i32, %arg2: memref<10000x128xf32, #tpu.memory_space<hbm>>, %arg3: memref<32x79x128xi32, #tpu.memory_space<hbm>>, %arg4: memref<32x79x128xi32, #tpu.memory_space<hbm>>, %arg5: memref<10240x128xf32, #tpu.memory_space<hbm>>, %arg6: memref<2x10240x128xf32, #tpu.memory_space<hbm>>, %arg7: memref<79x128xi32, #tpu.memory_space<vmem>>, %arg8: memref<79x128xi32, #tpu.memory_space<vmem>>, %arg9: memref<128x128xf32, #tpu.memory_space<vmem>>, %arg10: memref<10240x128xf32, #tpu.memory_space<vmem_shared>>, %arg11: memref<!tpu.dma_semaphore, #tpu.memory_space<semaphore_mem>>) attributes {dimension_semantics = [#tpu.dimension_semantics<core_parallel>, #tpu.dimension_semantics<subcore_parallel>], iteration_bounds = array<i64: 2, 16>, scalar_prefetch = 0 : i64, scratch_operands = 5 : i64, tpu.core_type = #tpu.core_type<sc_vector_subcore>, window_params = [{transform_indices = #map}, {transform_indices = #map1}, {transform_indices = #map1}, {transform_indices = #map}, {transform_indices = #map1}]} {
    %mul3A = arith.constant 16 : i32
    %mul3A_0 = arith.muli %arg0, %mul3A : i32
    %add3A = arith.addi %mul3A_0, %arg1 : i32
    %mul3A_1 = arith.constant 640 : i32
    %mul3A_2 = arith.muli %arg1, %mul3A_1 : i32
    %mul3A_3 = arith.constant 640 : i32
    %mul3A_4 = arith.muli %arg1, %mul3A_3 : i32
    "tpu.region"() ({
      %run_scoped3A = tpu.sem_alloc : memref<!tpu.dma_semaphore, #tpu.memory_space<semaphore_mem>>
      %dma_start3A = arith.constant 0 : i32
      %dma_start3A_14 = tpu.memref_slice %arg10[%mul3A_4, %dma_start3A] : memref<10240x128xf32, #tpu.memory_space<vmem_shared>> -> memref<640x128xf32, #tpu.memory_space<vmem_shared>>
      %dma_start3A_15 = arith.constant 0 : i32
      %dma_start3A_16 = tpu.memref_slice %arg5[%mul3A_2, %dma_start3A_15] : memref<10240x128xf32, #tpu.memory_space<hbm>> -> memref<640x128xf32, #tpu.memory_space<hbm>>
      tpu.enqueue_dma source(%dma_start3A_16 : memref<640x128xf32, #tpu.memory_space<hbm>>) target(%dma_start3A_14 : memref<640x128xf32, #tpu.memory_space<vmem_shared>>) target_semaphore(%run_scoped3A : memref<!tpu.dma_semaphore, #tpu.memory_space<semaphore_mem>>)
      %dma_wait3A = arith.constant 0 : i32
      %dma_wait3A_17 = tpu.memref_slice %arg10[%mul3A_4, %dma_wait3A] : memref<10240x128xf32, #tpu.memory_space<vmem_shared>> -> memref<640x128xf32, #tpu.memory_space<vmem_shared>>
      %dma_wait3A_18 = arith.constant 0 : i32
      %dma_wait3A_19 = tpu.memref_slice %arg5[%mul3A_2, %dma_wait3A_18] : memref<10240x128xf32, #tpu.memory_space<hbm>> -> memref<640x128xf32, #tpu.memory_space<hbm>>
      tpu.wait_dma2 semaphore(%run_scoped3A : memref<!tpu.dma_semaphore, #tpu.memory_space<semaphore_mem>>) src(%dma_wait3A_19 : memref<640x128xf32, #tpu.memory_space<hbm>>) dst(%dma_wait3A_17 : memref<640x128xf32, #tpu.memory_space<vmem_shared>>)
      tpu.yield
    }) : () -> ()
    %barrier3A = arith.constant 0 : index
    tpu.barrier barrier_id(%barrier3A)
    "tpu.region"() ({
      %run_scoped3A = tpu.sem_alloc : memref<!tpu.dma_semaphore, #tpu.memory_space<semaphore_mem>>
      %dma_start3A = arith.constant 0 : i32
      %dma_start3A_14 = arith.constant 0 : i32
      %dma_start3A_15 = tpu.memref_slice %arg3[%add3A, %dma_start3A, %dma_start3A_14] : memref<32x79x128xi32, #tpu.memory_space<hbm>> -> memref<1x79x128xi32, #tpu.memory_space<hbm>>
      %dma_start3A_16 = tpu.memref_squeeze %dma_start3A_15 : memref<1x79x128xi32, #tpu.memory_space<hbm>> -> memref<79x128xi32, #tpu.memory_space<hbm>>
      %dma_start3A_17 = arith.constant 0 : i32
      %dma_start3A_18 = arith.constant 0 : i32
      %dma_start3A_19 = tpu.memref_slice %arg3[%add3A, %dma_start3A_17, %dma_start3A_18] : memref<32x79x128xi32, #tpu.memory_space<hbm>> -> memref<1x79x128xi32, #tpu.memory_space<hbm>>
      %dma_start3A_20 = tpu.memref_squeeze %dma_start3A_19 : memref<1x79x128xi32, #tpu.memory_space<hbm>> -> memref<79x128xi32, #tpu.memory_space<hbm>>
      tpu.enqueue_dma source(%dma_start3A_20 : memref<79x128xi32, #tpu.memory_space<hbm>>) target(%arg7 : memref<79x128xi32, #tpu.memory_space<vmem>>) target_semaphore(%run_scoped3A : memref<!tpu.dma_semaphore, #tpu.memory_space<semaphore_mem>>)
      %dma_wait3A = arith.constant 0 : i32
      %dma_wait3A_21 = arith.constant 0 : i32
      %dma_wait3A_22 = tpu.memref_slice %arg3[%add3A, %dma_wait3A, %dma_wait3A_21] : memref<32x79x128xi32, #tpu.memory_space<hbm>> -> memref<1x79x128xi32, #tpu.memory_space<hbm>>
      %dma_wait3A_23 = tpu.memref_squeeze %dma_wait3A_22 : memref<1x79x128xi32, #tpu.memory_space<hbm>> -> memref<79x128xi32, #tpu.memory_space<hbm>>
      %dma_wait3A_24 = arith.constant 0 : i32
      %dma_wait3A_25 = arith.constant 0 : i32
      %dma_wait3A_26 = tpu.memref_slice %arg3[%add3A, %dma_wait3A_24, %dma_wait3A_25] : memref<32x79x128xi32, #tpu.memory_space<hbm>> -> memref<1x79x128xi32, #tpu.memory_space<hbm>>
      %dma_wait3A_27 = tpu.memref_squeeze %dma_wait3A_26 : memref<1x79x128xi32, #tpu.memory_space<hbm>> -> memref<79x128xi32, #tpu.memory_space<hbm>>
      tpu.wait_dma2 semaphore(%run_scoped3A : memref<!tpu.dma_semaphore, #tpu.memory_space<semaphore_mem>>) src(%dma_wait3A_27 : memref<79x128xi32, #tpu.memory_space<hbm>>) dst(%arg7 : memref<79x128xi32, #tpu.memory_space<vmem>>)
      tpu.yield
    }) : () -> ()
    "tpu.region"() ({
      %run_scoped3A = tpu.sem_alloc : memref<!tpu.dma_semaphore, #tpu.memory_space<semaphore_mem>>
      %dma_start3A = arith.constant 0 : i32
      %dma_start3A_14 = arith.constant 0 : i32
      %dma_start3A_15 = tpu.memref_slice %arg4[%add3A, %dma_start3A, %dma_start3A_14] : memref<32x79x128xi32, #tpu.memory_space<hbm>> -> memref<1x79x128xi32, #tpu.memory_space<hbm>>
      %dma_start3A_16 = tpu.memref_squeeze %dma_start3A_15 : memref<1x79x128xi32, #tpu.memory_space<hbm>> -> memref<79x128xi32, #tpu.memory_space<hbm>>
      %dma_start3A_17 = arith.constant 0 : i32
      %dma_start3A_18 = arith.constant 0 : i32
      %dma_start3A_19 = tpu.memref_slice %arg4[%add3A, %dma_start3A_17, %dma_start3A_18] : memref<32x79x128xi32, #tpu.memory_space<hbm>> -> memref<1x79x128xi32, #tpu.memory_space<hbm>>
      %dma_start3A_20 = tpu.memref_squeeze %dma_start3A_19 : memref<1x79x128xi32, #tpu.memory_space<hbm>> -> memref<79x128xi32, #tpu.memory_space<hbm>>
      tpu.enqueue_dma source(%dma_start3A_20 : memref<79x128xi32, #tpu.memory_space<hbm>>) target(%arg8 : memref<79x128xi32, #tpu.memory_space<vmem>>) target_semaphore(%run_scoped3A : memref<!tpu.dma_semaphore, #tpu.memory_space<semaphore_mem>>)
      %dma_wait3A = arith.constant 0 : i32
      %dma_wait3A_21 = arith.constant 0 : i32
      %dma_wait3A_22 = tpu.memref_slice %arg4[%add3A, %dma_wait3A, %dma_wait3A_21] : memref<32x79x128xi32, #tpu.memory_space<hbm>> -> memref<1x79x128xi32, #tpu.memory_space<hbm>>
      %dma_wait3A_23 = tpu.memref_squeeze %dma_wait3A_22 : memref<1x79x128xi32, #tpu.memory_space<hbm>> -> memref<79x128xi32, #tpu.memory_space<hbm>>
      %dma_wait3A_24 = arith.constant 0 : i32
      %dma_wait3A_25 = arith.constant 0 : i32
      %dma_wait3A_26 = tpu.memref_slice %arg4[%add3A, %dma_wait3A_24, %dma_wait3A_25] : memref<32x79x128xi32, #tpu.memory_space<hbm>> -> memref<1x79x128xi32, #tpu.memory_space<hbm>>
      %dma_wait3A_27 = tpu.memref_squeeze %dma_wait3A_26 : memref<1x79x128xi32, #tpu.memory_space<hbm>> -> memref<79x128xi32, #tpu.memory_space<hbm>>
      tpu.wait_dma2 semaphore(%run_scoped3A : memref<!tpu.dma_semaphore, #tpu.memory_space<semaphore_mem>>) src(%dma_wait3A_27 : memref<79x128xi32, #tpu.memory_space<hbm>>) dst(%arg8 : memref<79x128xi32, #tpu.memory_space<vmem>>)
      tpu.yield
    }) : () -> ()
    %scan3A = arith.constant 0 : i32
    %scan3A_5 = arith.constant 79 : i32
    %scan3A_6 = arith.addi %scan3A, %scan3A_5 : i32
    %scan3A_7 = arith.constant 1 : i32
    scf.for %scan3A_14 = %scan3A to %scan3A_6 step %scan3A_7  : i32 {
      %mul3A_15 = arith.constant 1 : i32
      %mul3A_16 = arith.muli %scan3A_14, %mul3A_15 : i32
      %add3A_17 = arith.constant 0 : i32
      %add3A_18 = arith.addi %add3A_17, %mul3A_16 : i32
      %dma_start3A = arith.constant 0 : i32
      %dma_start3A_19 = tpu.memref_slice %arg7[%add3A_18, %dma_start3A] : memref<79x128xi32, #tpu.memory_space<vmem>> -> memref<1x128xi32, #tpu.memory_space<vmem>>
      %dma_start3A_20 = tpu.memref_squeeze %dma_start3A_19 : memref<1x128xi32, #tpu.memory_space<vmem>> -> memref<128xi32, #tpu.memory_space<vmem>>
      %dma_start3A_21 = arith.constant 0 : i32
      %dma_start3A_22 = arith.constant 0 : i32
      %dma_start3A_23 = tpu.memref_slice %arg2[%dma_start3A_21, %dma_start3A_22] : memref<10000x128xf32, #tpu.memory_space<hbm>> -> memref<10000x128xf32, #tpu.memory_space<hbm>>
      tpu.enqueue_indirect_dma source(%dma_start3A_23 : memref<10000x128xf32, #tpu.memory_space<hbm>>) target(%arg9 : memref<128x128xf32, #tpu.memory_space<vmem>>) offsets(%dma_start3A_20 : memref<128xi32, #tpu.memory_space<vmem>>) semaphore(%arg11 : memref<!tpu.dma_semaphore, #tpu.memory_space<semaphore_mem>>)
      %dma_wait3A = arith.constant 0 : i32
      %dma_wait3A_24 = tpu.memref_slice %arg7[%add3A_18, %dma_wait3A] : memref<79x128xi32, #tpu.memory_space<vmem>> -> memref<1x128xi32, #tpu.memory_space<vmem>>
      %dma_wait3A_25 = tpu.memref_squeeze %dma_wait3A_24 : memref<1x128xi32, #tpu.memory_space<vmem>> -> memref<128xi32, #tpu.memory_space<vmem>>
      %dma_wait3A_26 = arith.constant 0 : i32
      %dma_wait3A_27 = arith.constant 0 : i32
      %dma_wait3A_28 = tpu.memref_slice %arg2[%dma_wait3A_26, %dma_wait3A_27] : memref<10000x128xf32, #tpu.memory_space<hbm>> -> memref<10000x128xf32, #tpu.memory_space<hbm>>
      tpu.wait_indirect_dma semaphore(%arg11 : memref<!tpu.dma_semaphore, #tpu.memory_space<semaphore_mem>>) src(%dma_wait3A_28 : memref<10000x128xf32, #tpu.memory_space<hbm>>) dst(%arg9 : memref<128x128xf32, #tpu.memory_space<vmem>>)
      "tpu.region"() ({
        %run_scoped3A = tpu.sem_alloc : memref<!tpu.dma_semaphore, #tpu.memory_space<semaphore_mem>>
        %dma_start3A_29 = arith.constant 0 : i32
        %dma_start3A_30 = tpu.memref_slice %arg8[%add3A_18, %dma_start3A_29] : memref<79x128xi32, #tpu.memory_space<vmem>> -> memref<1x128xi32, #tpu.memory_space<vmem>>
        %dma_start3A_31 = tpu.memref_squeeze %dma_start3A_30 : memref<1x128xi32, #tpu.memory_space<vmem>> -> memref<128xi32, #tpu.memory_space<vmem>>
        %dma_start3A_32 = arith.constant 0 : i32
        %dma_start3A_33 = arith.constant 0 : i32
        %dma_start3A_34 = tpu.memref_slice %arg10[%dma_start3A_32, %dma_start3A_33] : memref<10240x128xf32, #tpu.memory_space<vmem_shared>> -> memref<10240x128xf32, #tpu.memory_space<vmem_shared>>
        tpu.enqueue_indirect_dma source(%arg9 : memref<128x128xf32, #tpu.memory_space<vmem>>) target(%dma_start3A_34 : memref<10240x128xf32, #tpu.memory_space<vmem_shared>>) offsets(%dma_start3A_31 : memref<128xi32, #tpu.memory_space<vmem>>) semaphore(%run_scoped3A : memref<!tpu.dma_semaphore, #tpu.memory_space<semaphore_mem>>) {add = true}
        %dma_wait3A_35 = arith.constant 0 : i32
        %dma_wait3A_36 = tpu.memref_slice %arg8[%add3A_18, %dma_wait3A_35] : memref<79x128xi32, #tpu.memory_space<vmem>> -> memref<1x128xi32, #tpu.memory_space<vmem>>
        %dma_wait3A_37 = tpu.memref_squeeze %dma_wait3A_36 : memref<1x128xi32, #tpu.memory_space<vmem>> -> memref<128xi32, #tpu.memory_space<vmem>>
        %dma_wait3A_38 = arith.constant 0 : i32
        %dma_wait3A_39 = arith.constant 0 : i32
        %dma_wait3A_40 = tpu.memref_slice %arg10[%dma_wait3A_38, %dma_wait3A_39] : memref<10240x128xf32, #tpu.memory_space<vmem_shared>> -> memref<10240x128xf32, #tpu.memory_space<vmem_shared>>
        tpu.wait_indirect_dma semaphore(%run_scoped3A : memref<!tpu.dma_semaphore, #tpu.memory_space<semaphore_mem>>) src(%arg9 : memref<128x128xf32, #tpu.memory_space<vmem>>) dst(%dma_wait3A_40 : memref<10240x128xf32, #tpu.memory_space<vmem_shared>>)
        tpu.yield
      }) : () -> ()
    }
    %scan3A_8 = arith.constant 79 : i32
    %barrier3A_9 = arith.constant 0 : index
    tpu.barrier barrier_id(%barrier3A_9)
    %mul3A_10 = arith.constant 640 : i32
    %mul3A_11 = arith.muli %arg1, %mul3A_10 : i32
    %mul3A_12 = arith.constant 640 : i32
    %mul3A_13 = arith.muli %arg1, %mul3A_12 : i32
    "tpu.region"() ({
      %run_scoped3A = tpu.sem_alloc : memref<!tpu.dma_semaphore, #tpu.memory_space<semaphore_mem>>
      %dma_start3A = arith.constant 0 : i32
      %dma_start3A_14 = tpu.memref_slice %arg6[%arg0, %mul3A_13, %dma_start3A] : memref<2x10240x128xf32, #tpu.memory_space<hbm>> -> memref<1x640x128xf32, #tpu.memory_space<hbm>>
      %dma_start3A_15 = tpu.memref_squeeze %dma_start3A_14 : memref<1x640x128xf32, #tpu.memory_space<hbm>> -> memref<640x128xf32, #tpu.memory_space<hbm>>
      %dma_start3A_16 = arith.constant 0 : i32
      %dma_start3A_17 = tpu.memref_slice %arg10[%mul3A_11, %dma_start3A_16] : memref<10240x128xf32, #tpu.memory_space<vmem_shared>> -> memref<640x128xf32, #tpu.memory_space<vmem_shared>>
      tpu.enqueue_dma source(%dma_start3A_17 : memref<640x128xf32, #tpu.memory_space<vmem_shared>>) target(%dma_start3A_15 : memref<640x128xf32, #tpu.memory_space<hbm>>) target_semaphore(%run_scoped3A : memref<!tpu.dma_semaphore, #tpu.memory_space<semaphore_mem>>)
      %dma_wait3A = arith.constant 0 : i32
      %dma_wait3A_18 = tpu.memref_slice %arg6[%arg0, %mul3A_13, %dma_wait3A] : memref<2x10240x128xf32, #tpu.memory_space<hbm>> -> memref<1x640x128xf32, #tpu.memory_space<hbm>>
      %dma_wait3A_19 = tpu.memref_squeeze %dma_wait3A_18 : memref<1x640x128xf32, #tpu.memory_space<hbm>> -> memref<640x128xf32, #tpu.memory_space<hbm>>
      %dma_wait3A_20 = arith.constant 0 : i32
      %dma_wait3A_21 = tpu.memref_slice %arg10[%mul3A_11, %dma_wait3A_20] : memref<10240x128xf32, #tpu.memory_space<vmem_shared>> -> memref<640x128xf32, #tpu.memory_space<vmem_shared>>
      tpu.wait_dma2 semaphore(%run_scoped3A : memref<!tpu.dma_semaphore, #tpu.memory_space<semaphore_mem>>) src(%dma_wait3A_21 : memref<640x128xf32, #tpu.memory_space<vmem_shared>>) dst(%dma_wait3A_19 : memref<640x128xf32, #tpu.memory_space<hbm>>)
      tpu.yield
    }) : () -> ()
    return
  }
}

#map = affine_map<(d0, d1) -> (0, 0)>
#map1 = affine_map<(d0, d1) -> (0, 0, 0)>
module attributes {stable_mosaic.version = 14 : i64} {
  func.func @sc_agg(%arg0: i32, %arg1: i32, %arg2: memref<10000x128xf32, #tpu.memory_space<hbm>>, %arg3: memref<32x79x128xi32, #tpu.memory_space<hbm>>, %arg4: memref<32x79x128xi32, #tpu.memory_space<hbm>>, %arg5: memref<10240x128xf32, #tpu.memory_space<hbm>>, %arg6: memref<2x10240x128xf32, #tpu.memory_space<hbm>>, %arg7: memref<79x128xi32, #tpu.memory_space<vmem>>, %arg8: memref<79x128xi32, #tpu.memory_space<vmem>>, %arg9: memref<128x128xf32, #tpu.memory_space<vmem>>, %arg10: memref<10240x128xf32, #tpu.memory_space<vmem_shared>>, %arg11: memref<!tpu.dma_semaphore, #tpu.memory_space<semaphore_mem>>) attributes {dimension_semantics = [#tpu.dimension_semantics<core_parallel>, #tpu.dimension_semantics<subcore_parallel>], iteration_bounds = array<i64: 2, 16>, scalar_prefetch = 0 : i64, scratch_operands = 5 : i64, tpu.core_type = #tpu.core_type<sc_vector_subcore>, window_params = [{transform_indices = #map}, {transform_indices = #map1}, {transform_indices = #map1}, {transform_indices = #map}, {transform_indices = #map1}]} {
    %mul3A = arith.constant 16 : i32
    %mul3A_0 = arith.muli %arg0, %mul3A : i32
    %add3A = arith.addi %mul3A_0, %arg1 : i32
    %mul3A_1 = arith.constant 640 : i32
    %mul3A_2 = arith.muli %arg1, %mul3A_1 : i32
    %mul3A_3 = arith.constant 640 : i32
    %mul3A_4 = arith.muli %arg1, %mul3A_3 : i32
    "tpu.region"() ({
      %run_scoped3A = tpu.sem_alloc : memref<!tpu.dma_semaphore, #tpu.memory_space<semaphore_mem>>
      %dma_start3A = arith.constant 0 : i32
      %dma_start3A_14 = tpu.memref_slice %arg10[%mul3A_4, %dma_start3A] : memref<10240x128xf32, #tpu.memory_space<vmem_shared>> -> memref<640x128xf32, #tpu.memory_space<vmem_shared>>
      %dma_start3A_15 = arith.constant 0 : i32
      %dma_start3A_16 = tpu.memref_slice %arg5[%mul3A_2, %dma_start3A_15] : memref<10240x128xf32, #tpu.memory_space<hbm>> -> memref<640x128xf32, #tpu.memory_space<hbm>>
      tpu.enqueue_dma source(%dma_start3A_16 : memref<640x128xf32, #tpu.memory_space<hbm>>) target(%dma_start3A_14 : memref<640x128xf32, #tpu.memory_space<vmem_shared>>) target_semaphore(%run_scoped3A : memref<!tpu.dma_semaphore, #tpu.memory_space<semaphore_mem>>)
      %dma_wait3A = arith.constant 0 : i32
      %dma_wait3A_17 = tpu.memref_slice %arg10[%mul3A_4, %dma_wait3A] : memref<10240x128xf32, #tpu.memory_space<vmem_shared>> -> memref<640x128xf32, #tpu.memory_space<vmem_shared>>
      %dma_wait3A_18 = arith.constant 0 : i32
      %dma_wait3A_19 = tpu.memref_slice %arg5[%mul3A_2, %dma_wait3A_18] : memref<10240x128xf32, #tpu.memory_space<hbm>> -> memref<640x128xf32, #tpu.memory_space<hbm>>
      tpu.wait_dma2 semaphore(%run_scoped3A : memref<!tpu.dma_semaphore, #tpu.memory_space<semaphore_mem>>) src(%dma_wait3A_19 : memref<640x128xf32, #tpu.memory_space<hbm>>) dst(%dma_wait3A_17 : memref<640x128xf32, #tpu.memory_space<vmem_shared>>)
      tpu.yield
    }) : () -> ()
    %barrier3A = arith.constant 0 : index
    tpu.barrier barrier_id(%barrier3A)
    "tpu.region"() ({
      %run_scoped3A = tpu.sem_alloc : memref<!tpu.dma_semaphore, #tpu.memory_space<semaphore_mem>>
      %dma_start3A = arith.constant 0 : i32
      %dma_start3A_14 = arith.constant 0 : i32
      %dma_start3A_15 = tpu.memref_slice %arg3[%add3A, %dma_start3A, %dma_start3A_14] : memref<32x79x128xi32, #tpu.memory_space<hbm>> -> memref<1x79x128xi32, #tpu.memory_space<hbm>>
      %dma_start3A_16 = tpu.memref_squeeze %dma_start3A_15 : memref<1x79x128xi32, #tpu.memory_space<hbm>> -> memref<79x128xi32, #tpu.memory_space<hbm>>
      %dma_start3A_17 = arith.constant 0 : i32
      %dma_start3A_18 = arith.constant 0 : i32
      %dma_start3A_19 = tpu.memref_slice %arg3[%add3A, %dma_start3A_17, %dma_start3A_18] : memref<32x79x128xi32, #tpu.memory_space<hbm>> -> memref<1x79x128xi32, #tpu.memory_space<hbm>>
      %dma_start3A_20 = tpu.memref_squeeze %dma_start3A_19 : memref<1x79x128xi32, #tpu.memory_space<hbm>> -> memref<79x128xi32, #tpu.memory_space<hbm>>
      tpu.enqueue_dma source(%dma_start3A_20 : memref<79x128xi32, #tpu.memory_space<hbm>>) target(%arg7 : memref<79x128xi32, #tpu.memory_space<vmem>>) target_semaphore(%run_scoped3A : memref<!tpu.dma_semaphore, #tpu.memory_space<semaphore_mem>>)
      %dma_wait3A = arith.constant 0 : i32
      %dma_wait3A_21 = arith.constant 0 : i32
      %dma_wait3A_22 = tpu.memref_slice %arg3[%add3A, %dma_wait3A, %dma_wait3A_21] : memref<32x79x128xi32, #tpu.memory_space<hbm>> -> memref<1x79x128xi32, #tpu.memory_space<hbm>>
      %dma_wait3A_23 = tpu.memref_squeeze %dma_wait3A_22 : memref<1x79x128xi32, #tpu.memory_space<hbm>> -> memref<79x128xi32, #tpu.memory_space<hbm>>
      %dma_wait3A_24 = arith.constant 0 : i32
      %dma_wait3A_25 = arith.constant 0 : i32
      %dma_wait3A_26 = tpu.memref_slice %arg3[%add3A, %dma_wait3A_24, %dma_wait3A_25] : memref<32x79x128xi32, #tpu.memory_space<hbm>> -> memref<1x79x128xi32, #tpu.memory_space<hbm>>
      %dma_wait3A_27 = tpu.memref_squeeze %dma_wait3A_26 : memref<1x79x128xi32, #tpu.memory_space<hbm>> -> memref<79x128xi32, #tpu.memory_space<hbm>>
      tpu.wait_dma2 semaphore(%run_scoped3A : memref<!tpu.dma_semaphore, #tpu.memory_space<semaphore_mem>>) src(%dma_wait3A_27 : memref<79x128xi32, #tpu.memory_space<hbm>>) dst(%arg7 : memref<79x128xi32, #tpu.memory_space<vmem>>)
      tpu.yield
    }) : () -> ()
    "tpu.region"() ({
      %run_scoped3A = tpu.sem_alloc : memref<!tpu.dma_semaphore, #tpu.memory_space<semaphore_mem>>
      %dma_start3A = arith.constant 0 : i32
      %dma_start3A_14 = arith.constant 0 : i32
      %dma_start3A_15 = tpu.memref_slice %arg4[%add3A, %dma_start3A, %dma_start3A_14] : memref<32x79x128xi32, #tpu.memory_space<hbm>> -> memref<1x79x128xi32, #tpu.memory_space<hbm>>
      %dma_start3A_16 = tpu.memref_squeeze %dma_start3A_15 : memref<1x79x128xi32, #tpu.memory_space<hbm>> -> memref<79x128xi32, #tpu.memory_space<hbm>>
      %dma_start3A_17 = arith.constant 0 : i32
      %dma_start3A_18 = arith.constant 0 : i32
      %dma_start3A_19 = tpu.memref_slice %arg4[%add3A, %dma_start3A_17, %dma_start3A_18] : memref<32x79x128xi32, #tpu.memory_space<hbm>> -> memref<1x79x128xi32, #tpu.memory_space<hbm>>
      %dma_start3A_20 = tpu.memref_squeeze %dma_start3A_19 : memref<1x79x128xi32, #tpu.memory_space<hbm>> -> memref<79x128xi32, #tpu.memory_space<hbm>>
      tpu.enqueue_dma source(%dma_start3A_20 : memref<79x128xi32, #tpu.memory_space<hbm>>) target(%arg8 : memref<79x128xi32, #tpu.memory_space<vmem>>) target_semaphore(%run_scoped3A : memref<!tpu.dma_semaphore, #tpu.memory_space<semaphore_mem>>)
      %dma_wait3A = arith.constant 0 : i32
      %dma_wait3A_21 = arith.constant 0 : i32
      %dma_wait3A_22 = tpu.memref_slice %arg4[%add3A, %dma_wait3A, %dma_wait3A_21] : memref<32x79x128xi32, #tpu.memory_space<hbm>> -> memref<1x79x128xi32, #tpu.memory_space<hbm>>
      %dma_wait3A_23 = tpu.memref_squeeze %dma_wait3A_22 : memref<1x79x128xi32, #tpu.memory_space<hbm>> -> memref<79x128xi32, #tpu.memory_space<hbm>>
      %dma_wait3A_24 = arith.constant 0 : i32
      %dma_wait3A_25 = arith.constant 0 : i32
      %dma_wait3A_26 = tpu.memref_slice %arg4[%add3A, %dma_wait3A_24, %dma_wait3A_25] : memref<32x79x128xi32, #tpu.memory_space<hbm>> -> memref<1x79x128xi32, #tpu.memory_space<hbm>>
      %dma_wait3A_27 = tpu.memref_squeeze %dma_wait3A_26 : memref<1x79x128xi32, #tpu.memory_space<hbm>> -> memref<79x128xi32, #tpu.memory_space<hbm>>
      tpu.wait_dma2 semaphore(%run_scoped3A : memref<!tpu.dma_semaphore, #tpu.memory_space<semaphore_mem>>) src(%dma_wait3A_27 : memref<79x128xi32, #tpu.memory_space<hbm>>) dst(%arg8 : memref<79x128xi32, #tpu.memory_space<vmem>>)
      tpu.yield
    }) : () -> ()
    %scan3A = arith.constant 0 : i32
    %scan3A_5 = arith.constant 79 : i32
    %scan3A_6 = arith.addi %scan3A, %scan3A_5 : i32
    %scan3A_7 = arith.constant 1 : i32
    scf.for %scan3A_14 = %scan3A to %scan3A_6 step %scan3A_7  : i32 {
      %mul3A_15 = arith.constant 1 : i32
      %mul3A_16 = arith.muli %scan3A_14, %mul3A_15 : i32
      %add3A_17 = arith.constant 0 : i32
      %add3A_18 = arith.addi %add3A_17, %mul3A_16 : i32
      %dma_start3A = arith.constant 0 : i32
      %dma_start3A_19 = tpu.memref_slice %arg7[%add3A_18, %dma_start3A] : memref<79x128xi32, #tpu.memory_space<vmem>> -> memref<1x128xi32, #tpu.memory_space<vmem>>
      %dma_start3A_20 = tpu.memref_squeeze %dma_start3A_19 : memref<1x128xi32, #tpu.memory_space<vmem>> -> memref<128xi32, #tpu.memory_space<vmem>>
      %dma_start3A_21 = arith.constant 0 : i32
      %dma_start3A_22 = arith.constant 0 : i32
      %dma_start3A_23 = tpu.memref_slice %arg2[%dma_start3A_21, %dma_start3A_22] : memref<10000x128xf32, #tpu.memory_space<hbm>> -> memref<10000x128xf32, #tpu.memory_space<hbm>>
      tpu.enqueue_indirect_dma source(%dma_start3A_23 : memref<10000x128xf32, #tpu.memory_space<hbm>>) target(%arg9 : memref<128x128xf32, #tpu.memory_space<vmem>>) offsets(%dma_start3A_20 : memref<128xi32, #tpu.memory_space<vmem>>) semaphore(%arg11 : memref<!tpu.dma_semaphore, #tpu.memory_space<semaphore_mem>>)
      %dma_wait3A = arith.constant 0 : i32
      %dma_wait3A_24 = tpu.memref_slice %arg7[%add3A_18, %dma_wait3A] : memref<79x128xi32, #tpu.memory_space<vmem>> -> memref<1x128xi32, #tpu.memory_space<vmem>>
      %dma_wait3A_25 = tpu.memref_squeeze %dma_wait3A_24 : memref<1x128xi32, #tpu.memory_space<vmem>> -> memref<128xi32, #tpu.memory_space<vmem>>
      %dma_wait3A_26 = arith.constant 0 : i32
      %dma_wait3A_27 = arith.constant 0 : i32
      %dma_wait3A_28 = tpu.memref_slice %arg2[%dma_wait3A_26, %dma_wait3A_27] : memref<10000x128xf32, #tpu.memory_space<hbm>> -> memref<10000x128xf32, #tpu.memory_space<hbm>>
      tpu.wait_indirect_dma semaphore(%arg11 : memref<!tpu.dma_semaphore, #tpu.memory_space<semaphore_mem>>) src(%dma_wait3A_28 : memref<10000x128xf32, #tpu.memory_space<hbm>>) dst(%arg9 : memref<128x128xf32, #tpu.memory_space<vmem>>)
      "tpu.region"() ({
        %run_scoped3A = tpu.sem_alloc : memref<!tpu.dma_semaphore, #tpu.memory_space<semaphore_mem>>
        %dma_start3A_29 = arith.constant 0 : i32
        %dma_start3A_30 = tpu.memref_slice %arg8[%add3A_18, %dma_start3A_29] : memref<79x128xi32, #tpu.memory_space<vmem>> -> memref<1x128xi32, #tpu.memory_space<vmem>>
        %dma_start3A_31 = tpu.memref_squeeze %dma_start3A_30 : memref<1x128xi32, #tpu.memory_space<vmem>> -> memref<128xi32, #tpu.memory_space<vmem>>
        %dma_start3A_32 = arith.constant 0 : i32
        %dma_start3A_33 = arith.constant 0 : i32
        %dma_start3A_34 = tpu.memref_slice %arg10[%dma_start3A_32, %dma_start3A_33] : memref<10240x128xf32, #tpu.memory_space<vmem_shared>> -> memref<10240x128xf32, #tpu.memory_space<vmem_shared>>
        tpu.enqueue_indirect_dma source(%arg9 : memref<128x128xf32, #tpu.memory_space<vmem>>) target(%dma_start3A_34 : memref<10240x128xf32, #tpu.memory_space<vmem_shared>>) offsets(%dma_start3A_31 : memref<128xi32, #tpu.memory_space<vmem>>) semaphore(%run_scoped3A : memref<!tpu.dma_semaphore, #tpu.memory_space<semaphore_mem>>) {add = true}
        %dma_wait3A_35 = arith.constant 0 : i32
        %dma_wait3A_36 = tpu.memref_slice %arg8[%add3A_18, %dma_wait3A_35] : memref<79x128xi32, #tpu.memory_space<vmem>> -> memref<1x128xi32, #tpu.memory_space<vmem>>
        %dma_wait3A_37 = tpu.memref_squeeze %dma_wait3A_36 : memref<1x128xi32, #tpu.memory_space<vmem>> -> memref<128xi32, #tpu.memory_space<vmem>>
        %dma_wait3A_38 = arith.constant 0 : i32
        %dma_wait3A_39 = arith.constant 0 : i32
        %dma_wait3A_40 = tpu.memref_slice %arg10[%dma_wait3A_38, %dma_wait3A_39] : memref<10240x128xf32, #tpu.memory_space<vmem_shared>> -> memref<10240x128xf32, #tpu.memory_space<vmem_shared>>
        tpu.wait_indirect_dma semaphore(%run_scoped3A : memref<!tpu.dma_semaphore, #tpu.memory_space<semaphore_mem>>) src(%arg9 : memref<128x128xf32, #tpu.memory_space<vmem>>) dst(%dma_wait3A_40 : memref<10240x128xf32, #tpu.memory_space<vmem_shared>>)
        tpu.yield
      }) : () -> ()
    }
    %scan3A_8 = arith.constant 79 : i32
    %barrier3A_9 = arith.constant 0 : index
    tpu.barrier barrier_id(%barrier3A_9)
    %mul3A_10 = arith.constant 640 : i32
    %mul3A_11 = arith.muli %arg1, %mul3A_10 : i32
    %mul3A_12 = arith.constant 640 : i32
    %mul3A_13 = arith.muli %arg1, %mul3A_12 : i32
    "tpu.region"() ({
      %run_scoped3A = tpu.sem_alloc : memref<!tpu.dma_semaphore, #tpu.memory_space<semaphore_mem>>
      %dma_start3A = arith.constant 0 : i32
      %dma_start3A_14 = tpu.memref_slice %arg6[%arg0, %mul3A_13, %dma_start3A] : memref<2x10240x128xf32, #tpu.memory_space<hbm>> -> memref<1x640x128xf32, #tpu.memory_space<hbm>>
      %dma_start3A_15 = tpu.memref_squeeze %dma_start3A_14 : memref<1x640x128xf32, #tpu.memory_space<hbm>> -> memref<640x128xf32, #tpu.memory_space<hbm>>
      %dma_start3A_16 = arith.constant 0 : i32
      %dma_start3A_17 = tpu.memref_slice %arg10[%mul3A_11, %dma_start3A_16] : memref<10240x128xf32, #tpu.memory_space<vmem_shared>> -> memref<640x128xf32, #tpu.memory_space<vmem_shared>>
      tpu.enqueue_dma source(%dma_start3A_17 : memref<640x128xf32, #tpu.memory_space<vmem_shared>>) target(%dma_start3A_15 : memref<640x128xf32, #tpu.memory_space<hbm>>) target_semaphore(%run_scoped3A : memref<!tpu.dma_semaphore, #tpu.memory_space<semaphore_mem>>)
      %dma_wait3A = arith.constant 0 : i32
      %dma_wait3A_18 = tpu.memref_slice %arg6[%arg0, %mul3A_13, %dma_wait3A] : memref<2x10240x128xf32, #tpu.memory_space<hbm>> -> memref<1x640x128xf32, #tpu.memory_space<hbm>>
      %dma_wait3A_19 = tpu.memref_squeeze %dma_wait3A_18 : memref<1x640x128xf32, #tpu.memory_space<hbm>> -> memref<640x128xf32, #tpu.memory_space<hbm>>
      %dma_wait3A_20 = arith.constant 0 : i32
      %dma_wait3A_21 = tpu.memref_slice %arg10[%mul3A_11, %dma_wait3A_20] : memref<10240x128xf32, #tpu.memory_space<vmem_shared>> -> memref<640x128xf32, #tpu.memory_space<vmem_shared>>
      tpu.wait_dma2 semaphore(%run_scoped3A : memref<!tpu.dma_semaphore, #tpu.memory_space<semaphore_mem>>) src(%dma_wait3A_21 : memref<640x128xf32, #tpu.memory_space<vmem_shared>>) dst(%dma_wait3A_19 : memref<640x128xf32, #tpu.memory_space<hbm>>)
      tpu.yield
    }) : () -> ()
    return
  }
}

#map = affine_map<(d0, d1) -> (0, 0)>
#map1 = affine_map<(d0, d1) -> (0, 0, 0)>
module attributes {stable_mosaic.version = 14 : i64} {
  func.func @sc_agg(%arg0: i32, %arg1: i32, %arg2: memref<10000x128xf32, #tpu.memory_space<hbm>>, %arg3: memref<32x79x128xi32, #tpu.memory_space<hbm>>, %arg4: memref<32x79x128xi32, #tpu.memory_space<hbm>>, %arg5: memref<10240x128xf32, #tpu.memory_space<hbm>>, %arg6: memref<2x10240x128xf32, #tpu.memory_space<hbm>>, %arg7: memref<79x128xi32, #tpu.memory_space<vmem>>, %arg8: memref<79x128xi32, #tpu.memory_space<vmem>>, %arg9: memref<128x128xf32, #tpu.memory_space<vmem>>, %arg10: memref<10240x128xf32, #tpu.memory_space<vmem_shared>>, %arg11: memref<!tpu.dma_semaphore, #tpu.memory_space<semaphore_mem>>) attributes {dimension_semantics = [#tpu.dimension_semantics<core_parallel>, #tpu.dimension_semantics<subcore_parallel>], iteration_bounds = array<i64: 2, 16>, scalar_prefetch = 0 : i64, scratch_operands = 5 : i64, tpu.core_type = #tpu.core_type<sc_vector_subcore>, window_params = [{transform_indices = #map}, {transform_indices = #map1}, {transform_indices = #map1}, {transform_indices = #map}, {transform_indices = #map1}]} {
    %mul3A = arith.constant 16 : i32
    %mul3A_0 = arith.muli %arg0, %mul3A : i32
    %add3A = arith.addi %mul3A_0, %arg1 : i32
    %mul3A_1 = arith.constant 640 : i32
    %mul3A_2 = arith.muli %arg1, %mul3A_1 : i32
    %mul3A_3 = arith.constant 640 : i32
    %mul3A_4 = arith.muli %arg1, %mul3A_3 : i32
    "tpu.region"() ({
      %run_scoped3A = tpu.sem_alloc : memref<!tpu.dma_semaphore, #tpu.memory_space<semaphore_mem>>
      %dma_start3A = arith.constant 0 : i32
      %dma_start3A_14 = tpu.memref_slice %arg10[%mul3A_4, %dma_start3A] : memref<10240x128xf32, #tpu.memory_space<vmem_shared>> -> memref<640x128xf32, #tpu.memory_space<vmem_shared>>
      %dma_start3A_15 = arith.constant 0 : i32
      %dma_start3A_16 = tpu.memref_slice %arg5[%mul3A_2, %dma_start3A_15] : memref<10240x128xf32, #tpu.memory_space<hbm>> -> memref<640x128xf32, #tpu.memory_space<hbm>>
      tpu.enqueue_dma source(%dma_start3A_16 : memref<640x128xf32, #tpu.memory_space<hbm>>) target(%dma_start3A_14 : memref<640x128xf32, #tpu.memory_space<vmem_shared>>) target_semaphore(%run_scoped3A : memref<!tpu.dma_semaphore, #tpu.memory_space<semaphore_mem>>)
      %dma_wait3A = arith.constant 0 : i32
      %dma_wait3A_17 = tpu.memref_slice %arg10[%mul3A_4, %dma_wait3A] : memref<10240x128xf32, #tpu.memory_space<vmem_shared>> -> memref<640x128xf32, #tpu.memory_space<vmem_shared>>
      %dma_wait3A_18 = arith.constant 0 : i32
      %dma_wait3A_19 = tpu.memref_slice %arg5[%mul3A_2, %dma_wait3A_18] : memref<10240x128xf32, #tpu.memory_space<hbm>> -> memref<640x128xf32, #tpu.memory_space<hbm>>
      tpu.wait_dma2 semaphore(%run_scoped3A : memref<!tpu.dma_semaphore, #tpu.memory_space<semaphore_mem>>) src(%dma_wait3A_19 : memref<640x128xf32, #tpu.memory_space<hbm>>) dst(%dma_wait3A_17 : memref<640x128xf32, #tpu.memory_space<vmem_shared>>)
      tpu.yield
    }) : () -> ()
    %barrier3A = arith.constant 0 : index
    tpu.barrier barrier_id(%barrier3A)
    "tpu.region"() ({
      %run_scoped3A = tpu.sem_alloc : memref<!tpu.dma_semaphore, #tpu.memory_space<semaphore_mem>>
      %dma_start3A = arith.constant 0 : i32
      %dma_start3A_14 = arith.constant 0 : i32
      %dma_start3A_15 = tpu.memref_slice %arg3[%add3A, %dma_start3A, %dma_start3A_14] : memref<32x79x128xi32, #tpu.memory_space<hbm>> -> memref<1x79x128xi32, #tpu.memory_space<hbm>>
      %dma_start3A_16 = tpu.memref_squeeze %dma_start3A_15 : memref<1x79x128xi32, #tpu.memory_space<hbm>> -> memref<79x128xi32, #tpu.memory_space<hbm>>
      %dma_start3A_17 = arith.constant 0 : i32
      %dma_start3A_18 = arith.constant 0 : i32
      %dma_start3A_19 = tpu.memref_slice %arg3[%add3A, %dma_start3A_17, %dma_start3A_18] : memref<32x79x128xi32, #tpu.memory_space<hbm>> -> memref<1x79x128xi32, #tpu.memory_space<hbm>>
      %dma_start3A_20 = tpu.memref_squeeze %dma_start3A_19 : memref<1x79x128xi32, #tpu.memory_space<hbm>> -> memref<79x128xi32, #tpu.memory_space<hbm>>
      tpu.enqueue_dma source(%dma_start3A_20 : memref<79x128xi32, #tpu.memory_space<hbm>>) target(%arg7 : memref<79x128xi32, #tpu.memory_space<vmem>>) target_semaphore(%run_scoped3A : memref<!tpu.dma_semaphore, #tpu.memory_space<semaphore_mem>>)
      %dma_wait3A = arith.constant 0 : i32
      %dma_wait3A_21 = arith.constant 0 : i32
      %dma_wait3A_22 = tpu.memref_slice %arg3[%add3A, %dma_wait3A, %dma_wait3A_21] : memref<32x79x128xi32, #tpu.memory_space<hbm>> -> memref<1x79x128xi32, #tpu.memory_space<hbm>>
      %dma_wait3A_23 = tpu.memref_squeeze %dma_wait3A_22 : memref<1x79x128xi32, #tpu.memory_space<hbm>> -> memref<79x128xi32, #tpu.memory_space<hbm>>
      %dma_wait3A_24 = arith.constant 0 : i32
      %dma_wait3A_25 = arith.constant 0 : i32
      %dma_wait3A_26 = tpu.memref_slice %arg3[%add3A, %dma_wait3A_24, %dma_wait3A_25] : memref<32x79x128xi32, #tpu.memory_space<hbm>> -> memref<1x79x128xi32, #tpu.memory_space<hbm>>
      %dma_wait3A_27 = tpu.memref_squeeze %dma_wait3A_26 : memref<1x79x128xi32, #tpu.memory_space<hbm>> -> memref<79x128xi32, #tpu.memory_space<hbm>>
      tpu.wait_dma2 semaphore(%run_scoped3A : memref<!tpu.dma_semaphore, #tpu.memory_space<semaphore_mem>>) src(%dma_wait3A_27 : memref<79x128xi32, #tpu.memory_space<hbm>>) dst(%arg7 : memref<79x128xi32, #tpu.memory_space<vmem>>)
      tpu.yield
    }) : () -> ()
    "tpu.region"() ({
      %run_scoped3A = tpu.sem_alloc : memref<!tpu.dma_semaphore, #tpu.memory_space<semaphore_mem>>
      %dma_start3A = arith.constant 0 : i32
      %dma_start3A_14 = arith.constant 0 : i32
      %dma_start3A_15 = tpu.memref_slice %arg4[%add3A, %dma_start3A, %dma_start3A_14] : memref<32x79x128xi32, #tpu.memory_space<hbm>> -> memref<1x79x128xi32, #tpu.memory_space<hbm>>
      %dma_start3A_16 = tpu.memref_squeeze %dma_start3A_15 : memref<1x79x128xi32, #tpu.memory_space<hbm>> -> memref<79x128xi32, #tpu.memory_space<hbm>>
      %dma_start3A_17 = arith.constant 0 : i32
      %dma_start3A_18 = arith.constant 0 : i32
      %dma_start3A_19 = tpu.memref_slice %arg4[%add3A, %dma_start3A_17, %dma_start3A_18] : memref<32x79x128xi32, #tpu.memory_space<hbm>> -> memref<1x79x128xi32, #tpu.memory_space<hbm>>
      %dma_start3A_20 = tpu.memref_squeeze %dma_start3A_19 : memref<1x79x128xi32, #tpu.memory_space<hbm>> -> memref<79x128xi32, #tpu.memory_space<hbm>>
      tpu.enqueue_dma source(%dma_start3A_20 : memref<79x128xi32, #tpu.memory_space<hbm>>) target(%arg8 : memref<79x128xi32, #tpu.memory_space<vmem>>) target_semaphore(%run_scoped3A : memref<!tpu.dma_semaphore, #tpu.memory_space<semaphore_mem>>)
      %dma_wait3A = arith.constant 0 : i32
      %dma_wait3A_21 = arith.constant 0 : i32
      %dma_wait3A_22 = tpu.memref_slice %arg4[%add3A, %dma_wait3A, %dma_wait3A_21] : memref<32x79x128xi32, #tpu.memory_space<hbm>> -> memref<1x79x128xi32, #tpu.memory_space<hbm>>
      %dma_wait3A_23 = tpu.memref_squeeze %dma_wait3A_22 : memref<1x79x128xi32, #tpu.memory_space<hbm>> -> memref<79x128xi32, #tpu.memory_space<hbm>>
      %dma_wait3A_24 = arith.constant 0 : i32
      %dma_wait3A_25 = arith.constant 0 : i32
      %dma_wait3A_26 = tpu.memref_slice %arg4[%add3A, %dma_wait3A_24, %dma_wait3A_25] : memref<32x79x128xi32, #tpu.memory_space<hbm>> -> memref<1x79x128xi32, #tpu.memory_space<hbm>>
      %dma_wait3A_27 = tpu.memref_squeeze %dma_wait3A_26 : memref<1x79x128xi32, #tpu.memory_space<hbm>> -> memref<79x128xi32, #tpu.memory_space<hbm>>
      tpu.wait_dma2 semaphore(%run_scoped3A : memref<!tpu.dma_semaphore, #tpu.memory_space<semaphore_mem>>) src(%dma_wait3A_27 : memref<79x128xi32, #tpu.memory_space<hbm>>) dst(%arg8 : memref<79x128xi32, #tpu.memory_space<vmem>>)
      tpu.yield
    }) : () -> ()
    %scan3A = arith.constant 0 : i32
    %scan3A_5 = arith.constant 79 : i32
    %scan3A_6 = arith.addi %scan3A, %scan3A_5 : i32
    %scan3A_7 = arith.constant 1 : i32
    scf.for %scan3A_14 = %scan3A to %scan3A_6 step %scan3A_7  : i32 {
      %mul3A_15 = arith.constant 1 : i32
      %mul3A_16 = arith.muli %scan3A_14, %mul3A_15 : i32
      %add3A_17 = arith.constant 0 : i32
      %add3A_18 = arith.addi %add3A_17, %mul3A_16 : i32
      %dma_start3A = arith.constant 0 : i32
      %dma_start3A_19 = tpu.memref_slice %arg7[%add3A_18, %dma_start3A] : memref<79x128xi32, #tpu.memory_space<vmem>> -> memref<1x128xi32, #tpu.memory_space<vmem>>
      %dma_start3A_20 = tpu.memref_squeeze %dma_start3A_19 : memref<1x128xi32, #tpu.memory_space<vmem>> -> memref<128xi32, #tpu.memory_space<vmem>>
      %dma_start3A_21 = arith.constant 0 : i32
      %dma_start3A_22 = arith.constant 0 : i32
      %dma_start3A_23 = tpu.memref_slice %arg2[%dma_start3A_21, %dma_start3A_22] : memref<10000x128xf32, #tpu.memory_space<hbm>> -> memref<10000x128xf32, #tpu.memory_space<hbm>>
      tpu.enqueue_indirect_dma source(%dma_start3A_23 : memref<10000x128xf32, #tpu.memory_space<hbm>>) target(%arg9 : memref<128x128xf32, #tpu.memory_space<vmem>>) offsets(%dma_start3A_20 : memref<128xi32, #tpu.memory_space<vmem>>) semaphore(%arg11 : memref<!tpu.dma_semaphore, #tpu.memory_space<semaphore_mem>>)
      %dma_wait3A = arith.constant 0 : i32
      %dma_wait3A_24 = tpu.memref_slice %arg7[%add3A_18, %dma_wait3A] : memref<79x128xi32, #tpu.memory_space<vmem>> -> memref<1x128xi32, #tpu.memory_space<vmem>>
      %dma_wait3A_25 = tpu.memref_squeeze %dma_wait3A_24 : memref<1x128xi32, #tpu.memory_space<vmem>> -> memref<128xi32, #tpu.memory_space<vmem>>
      %dma_wait3A_26 = arith.constant 0 : i32
      %dma_wait3A_27 = arith.constant 0 : i32
      %dma_wait3A_28 = tpu.memref_slice %arg2[%dma_wait3A_26, %dma_wait3A_27] : memref<10000x128xf32, #tpu.memory_space<hbm>> -> memref<10000x128xf32, #tpu.memory_space<hbm>>
      tpu.wait_indirect_dma semaphore(%arg11 : memref<!tpu.dma_semaphore, #tpu.memory_space<semaphore_mem>>) src(%dma_wait3A_28 : memref<10000x128xf32, #tpu.memory_space<hbm>>) dst(%arg9 : memref<128x128xf32, #tpu.memory_space<vmem>>)
      "tpu.region"() ({
        %run_scoped3A = tpu.sem_alloc : memref<!tpu.dma_semaphore, #tpu.memory_space<semaphore_mem>>
        %dma_start3A_29 = arith.constant 0 : i32
        %dma_start3A_30 = tpu.memref_slice %arg8[%add3A_18, %dma_start3A_29] : memref<79x128xi32, #tpu.memory_space<vmem>> -> memref<1x128xi32, #tpu.memory_space<vmem>>
        %dma_start3A_31 = tpu.memref_squeeze %dma_start3A_30 : memref<1x128xi32, #tpu.memory_space<vmem>> -> memref<128xi32, #tpu.memory_space<vmem>>
        %dma_start3A_32 = arith.constant 0 : i32
        %dma_start3A_33 = arith.constant 0 : i32
        %dma_start3A_34 = tpu.memref_slice %arg10[%dma_start3A_32, %dma_start3A_33] : memref<10240x128xf32, #tpu.memory_space<vmem_shared>> -> memref<10240x128xf32, #tpu.memory_space<vmem_shared>>
        tpu.enqueue_indirect_dma source(%arg9 : memref<128x128xf32, #tpu.memory_space<vmem>>) target(%dma_start3A_34 : memref<10240x128xf32, #tpu.memory_space<vmem_shared>>) offsets(%dma_start3A_31 : memref<128xi32, #tpu.memory_space<vmem>>) semaphore(%run_scoped3A : memref<!tpu.dma_semaphore, #tpu.memory_space<semaphore_mem>>) {add = true}
        %dma_wait3A_35 = arith.constant 0 : i32
        %dma_wait3A_36 = tpu.memref_slice %arg8[%add3A_18, %dma_wait3A_35] : memref<79x128xi32, #tpu.memory_space<vmem>> -> memref<1x128xi32, #tpu.memory_space<vmem>>
        %dma_wait3A_37 = tpu.memref_squeeze %dma_wait3A_36 : memref<1x128xi32, #tpu.memory_space<vmem>> -> memref<128xi32, #tpu.memory_space<vmem>>
        %dma_wait3A_38 = arith.constant 0 : i32
        %dma_wait3A_39 = arith.constant 0 : i32
        %dma_wait3A_40 = tpu.memref_slice %arg10[%dma_wait3A_38, %dma_wait3A_39] : memref<10240x128xf32, #tpu.memory_space<vmem_shared>> -> memref<10240x128xf32, #tpu.memory_space<vmem_shared>>
        tpu.wait_indirect_dma semaphore(%run_scoped3A : memref<!tpu.dma_semaphore, #tpu.memory_space<semaphore_mem>>) src(%arg9 : memref<128x128xf32, #tpu.memory_space<vmem>>) dst(%dma_wait3A_40 : memref<10240x128xf32, #tpu.memory_space<vmem_shared>>)
        tpu.yield
      }) : () -> ()
    }
    %scan3A_8 = arith.constant 79 : i32
    %barrier3A_9 = arith.constant 0 : index
    tpu.barrier barrier_id(%barrier3A_9)
    %mul3A_10 = arith.constant 640 : i32
    %mul3A_11 = arith.muli %arg1, %mul3A_10 : i32
    %mul3A_12 = arith.constant 640 : i32
    %mul3A_13 = arith.muli %arg1, %mul3A_12 : i32
    "tpu.region"() ({
      %run_scoped3A = tpu.sem_alloc : memref<!tpu.dma_semaphore, #tpu.memory_space<semaphore_mem>>
      %dma_start3A = arith.constant 0 : i32
      %dma_start3A_14 = tpu.memref_slice %arg6[%arg0, %mul3A_13, %dma_start3A] : memref<2x10240x128xf32, #tpu.memory_space<hbm>> -> memref<1x640x128xf32, #tpu.memory_space<hbm>>
      %dma_start3A_15 = tpu.memref_squeeze %dma_start3A_14 : memref<1x640x128xf32, #tpu.memory_space<hbm>> -> memref<640x128xf32, #tpu.memory_space<hbm>>
      %dma_start3A_16 = arith.constant 0 : i32
      %dma_start3A_17 = tpu.memref_slice %arg10[%mul3A_11, %dma_start3A_16] : memref<10240x128xf32, #tpu.memory_space<vmem_shared>> -> memref<640x128xf32, #tpu.memory_space<vmem_shared>>
      tpu.enqueue_dma source(%dma_start3A_17 : memref<640x128xf32, #tpu.memory_space<vmem_shared>>) target(%dma_start3A_15 : memref<640x128xf32, #tpu.memory_space<hbm>>) target_semaphore(%run_scoped3A : memref<!tpu.dma_semaphore, #tpu.memory_space<semaphore_mem>>)
      %dma_wait3A = arith.constant 0 : i32
      %dma_wait3A_18 = tpu.memref_slice %arg6[%arg0, %mul3A_13, %dma_wait3A] : memref<2x10240x128xf32, #tpu.memory_space<hbm>> -> memref<1x640x128xf32, #tpu.memory_space<hbm>>
      %dma_wait3A_19 = tpu.memref_squeeze %dma_wait3A_18 : memref<1x640x128xf32, #tpu.memory_space<hbm>> -> memref<640x128xf32, #tpu.memory_space<hbm>>
      %dma_wait3A_20 = arith.constant 0 : i32
      %dma_wait3A_21 = tpu.memref_slice %arg10[%mul3A_11, %dma_wait3A_20] : memref<10240x128xf32, #tpu.memory_space<vmem_shared>> -> memref<640x128xf32, #tpu.memory_space<vmem_shared>>
      tpu.wait_dma2 semaphore(%run_scoped3A : memref<!tpu.dma_semaphore, #tpu.memory_space<semaphore_mem>>) src(%dma_wait3A_21 : memref<640x128xf32, #tpu.memory_space<vmem_shared>>) dst(%dma_wait3A_19 : memref<640x128xf32, #tpu.memory_space<hbm>>)
      tpu.yield
    }) : () -> ()
    return
  }
}

#map = affine_map<(d0, d1) -> (0, 0)>
#map1 = affine_map<(d0, d1) -> (0, 0, 0)>
module attributes {stable_mosaic.version = 14 : i64} {
  func.func @sc_agg(%arg0: i32, %arg1: i32, %arg2: memref<10000x128xf32, #tpu.memory_space<hbm>>, %arg3: memref<32x79x128xi32, #tpu.memory_space<hbm>>, %arg4: memref<32x79x128xi32, #tpu.memory_space<hbm>>, %arg5: memref<10240x128xf32, #tpu.memory_space<hbm>>, %arg6: memref<2x10240x128xf32, #tpu.memory_space<hbm>>, %arg7: memref<79x128xi32, #tpu.memory_space<vmem>>, %arg8: memref<79x128xi32, #tpu.memory_space<vmem>>, %arg9: memref<128x128xf32, #tpu.memory_space<vmem>>, %arg10: memref<10240x128xf32, #tpu.memory_space<vmem_shared>>, %arg11: memref<!tpu.dma_semaphore, #tpu.memory_space<semaphore_mem>>) attributes {dimension_semantics = [#tpu.dimension_semantics<core_parallel>, #tpu.dimension_semantics<subcore_parallel>], iteration_bounds = array<i64: 2, 16>, scalar_prefetch = 0 : i64, scratch_operands = 5 : i64, tpu.core_type = #tpu.core_type<sc_vector_subcore>, window_params = [{transform_indices = #map}, {transform_indices = #map1}, {transform_indices = #map1}, {transform_indices = #map}, {transform_indices = #map1}]} {
    %mul3A = arith.constant 16 : i32
    %mul3A_0 = arith.muli %arg0, %mul3A : i32
    %add3A = arith.addi %mul3A_0, %arg1 : i32
    %mul3A_1 = arith.constant 640 : i32
    %mul3A_2 = arith.muli %arg1, %mul3A_1 : i32
    %mul3A_3 = arith.constant 640 : i32
    %mul3A_4 = arith.muli %arg1, %mul3A_3 : i32
    "tpu.region"() ({
      %run_scoped3A = tpu.sem_alloc : memref<!tpu.dma_semaphore, #tpu.memory_space<semaphore_mem>>
      %dma_start3A = arith.constant 0 : i32
      %dma_start3A_14 = tpu.memref_slice %arg10[%mul3A_4, %dma_start3A] : memref<10240x128xf32, #tpu.memory_space<vmem_shared>> -> memref<640x128xf32, #tpu.memory_space<vmem_shared>>
      %dma_start3A_15 = arith.constant 0 : i32
      %dma_start3A_16 = tpu.memref_slice %arg5[%mul3A_2, %dma_start3A_15] : memref<10240x128xf32, #tpu.memory_space<hbm>> -> memref<640x128xf32, #tpu.memory_space<hbm>>
      tpu.enqueue_dma source(%dma_start3A_16 : memref<640x128xf32, #tpu.memory_space<hbm>>) target(%dma_start3A_14 : memref<640x128xf32, #tpu.memory_space<vmem_shared>>) target_semaphore(%run_scoped3A : memref<!tpu.dma_semaphore, #tpu.memory_space<semaphore_mem>>)
      %dma_wait3A = arith.constant 0 : i32
      %dma_wait3A_17 = tpu.memref_slice %arg10[%mul3A_4, %dma_wait3A] : memref<10240x128xf32, #tpu.memory_space<vmem_shared>> -> memref<640x128xf32, #tpu.memory_space<vmem_shared>>
      %dma_wait3A_18 = arith.constant 0 : i32
      %dma_wait3A_19 = tpu.memref_slice %arg5[%mul3A_2, %dma_wait3A_18] : memref<10240x128xf32, #tpu.memory_space<hbm>> -> memref<640x128xf32, #tpu.memory_space<hbm>>
      tpu.wait_dma2 semaphore(%run_scoped3A : memref<!tpu.dma_semaphore, #tpu.memory_space<semaphore_mem>>) src(%dma_wait3A_19 : memref<640x128xf32, #tpu.memory_space<hbm>>) dst(%dma_wait3A_17 : memref<640x128xf32, #tpu.memory_space<vmem_shared>>)
      tpu.yield
    }) : () -> ()
    %barrier3A = arith.constant 0 : index
    tpu.barrier barrier_id(%barrier3A)
    "tpu.region"() ({
      %run_scoped3A = tpu.sem_alloc : memref<!tpu.dma_semaphore, #tpu.memory_space<semaphore_mem>>
      %dma_start3A = arith.constant 0 : i32
      %dma_start3A_14 = arith.constant 0 : i32
      %dma_start3A_15 = tpu.memref_slice %arg3[%add3A, %dma_start3A, %dma_start3A_14] : memref<32x79x128xi32, #tpu.memory_space<hbm>> -> memref<1x79x128xi32, #tpu.memory_space<hbm>>
      %dma_start3A_16 = tpu.memref_squeeze %dma_start3A_15 : memref<1x79x128xi32, #tpu.memory_space<hbm>> -> memref<79x128xi32, #tpu.memory_space<hbm>>
      %dma_start3A_17 = arith.constant 0 : i32
      %dma_start3A_18 = arith.constant 0 : i32
      %dma_start3A_19 = tpu.memref_slice %arg3[%add3A, %dma_start3A_17, %dma_start3A_18] : memref<32x79x128xi32, #tpu.memory_space<hbm>> -> memref<1x79x128xi32, #tpu.memory_space<hbm>>
      %dma_start3A_20 = tpu.memref_squeeze %dma_start3A_19 : memref<1x79x128xi32, #tpu.memory_space<hbm>> -> memref<79x128xi32, #tpu.memory_space<hbm>>
      tpu.enqueue_dma source(%dma_start3A_20 : memref<79x128xi32, #tpu.memory_space<hbm>>) target(%arg7 : memref<79x128xi32, #tpu.memory_space<vmem>>) target_semaphore(%run_scoped3A : memref<!tpu.dma_semaphore, #tpu.memory_space<semaphore_mem>>)
      %dma_wait3A = arith.constant 0 : i32
      %dma_wait3A_21 = arith.constant 0 : i32
      %dma_wait3A_22 = tpu.memref_slice %arg3[%add3A, %dma_wait3A, %dma_wait3A_21] : memref<32x79x128xi32, #tpu.memory_space<hbm>> -> memref<1x79x128xi32, #tpu.memory_space<hbm>>
      %dma_wait3A_23 = tpu.memref_squeeze %dma_wait3A_22 : memref<1x79x128xi32, #tpu.memory_space<hbm>> -> memref<79x128xi32, #tpu.memory_space<hbm>>
      %dma_wait3A_24 = arith.constant 0 : i32
      %dma_wait3A_25 = arith.constant 0 : i32
      %dma_wait3A_26 = tpu.memref_slice %arg3[%add3A, %dma_wait3A_24, %dma_wait3A_25] : memref<32x79x128xi32, #tpu.memory_space<hbm>> -> memref<1x79x128xi32, #tpu.memory_space<hbm>>
      %dma_wait3A_27 = tpu.memref_squeeze %dma_wait3A_26 : memref<1x79x128xi32, #tpu.memory_space<hbm>> -> memref<79x128xi32, #tpu.memory_space<hbm>>
      tpu.wait_dma2 semaphore(%run_scoped3A : memref<!tpu.dma_semaphore, #tpu.memory_space<semaphore_mem>>) src(%dma_wait3A_27 : memref<79x128xi32, #tpu.memory_space<hbm>>) dst(%arg7 : memref<79x128xi32, #tpu.memory_space<vmem>>)
      tpu.yield
    }) : () -> ()
    "tpu.region"() ({
      %run_scoped3A = tpu.sem_alloc : memref<!tpu.dma_semaphore, #tpu.memory_space<semaphore_mem>>
      %dma_start3A = arith.constant 0 : i32
      %dma_start3A_14 = arith.constant 0 : i32
      %dma_start3A_15 = tpu.memref_slice %arg4[%add3A, %dma_start3A, %dma_start3A_14] : memref<32x79x128xi32, #tpu.memory_space<hbm>> -> memref<1x79x128xi32, #tpu.memory_space<hbm>>
      %dma_start3A_16 = tpu.memref_squeeze %dma_start3A_15 : memref<1x79x128xi32, #tpu.memory_space<hbm>> -> memref<79x128xi32, #tpu.memory_space<hbm>>
      %dma_start3A_17 = arith.constant 0 : i32
      %dma_start3A_18 = arith.constant 0 : i32
      %dma_start3A_19 = tpu.memref_slice %arg4[%add3A, %dma_start3A_17, %dma_start3A_18] : memref<32x79x128xi32, #tpu.memory_space<hbm>> -> memref<1x79x128xi32, #tpu.memory_space<hbm>>
      %dma_start3A_20 = tpu.memref_squeeze %dma_start3A_19 : memref<1x79x128xi32, #tpu.memory_space<hbm>> -> memref<79x128xi32, #tpu.memory_space<hbm>>
      tpu.enqueue_dma source(%dma_start3A_20 : memref<79x128xi32, #tpu.memory_space<hbm>>) target(%arg8 : memref<79x128xi32, #tpu.memory_space<vmem>>) target_semaphore(%run_scoped3A : memref<!tpu.dma_semaphore, #tpu.memory_space<semaphore_mem>>)
      %dma_wait3A = arith.constant 0 : i32
      %dma_wait3A_21 = arith.constant 0 : i32
      %dma_wait3A_22 = tpu.memref_slice %arg4[%add3A, %dma_wait3A, %dma_wait3A_21] : memref<32x79x128xi32, #tpu.memory_space<hbm>> -> memref<1x79x128xi32, #tpu.memory_space<hbm>>
      %dma_wait3A_23 = tpu.memref_squeeze %dma_wait3A_22 : memref<1x79x128xi32, #tpu.memory_space<hbm>> -> memref<79x128xi32, #tpu.memory_space<hbm>>
      %dma_wait3A_24 = arith.constant 0 : i32
      %dma_wait3A_25 = arith.constant 0 : i32
      %dma_wait3A_26 = tpu.memref_slice %arg4[%add3A, %dma_wait3A_24, %dma_wait3A_25] : memref<32x79x128xi32, #tpu.memory_space<hbm>> -> memref<1x79x128xi32, #tpu.memory_space<hbm>>
      %dma_wait3A_27 = tpu.memref_squeeze %dma_wait3A_26 : memref<1x79x128xi32, #tpu.memory_space<hbm>> -> memref<79x128xi32, #tpu.memory_space<hbm>>
      tpu.wait_dma2 semaphore(%run_scoped3A : memref<!tpu.dma_semaphore, #tpu.memory_space<semaphore_mem>>) src(%dma_wait3A_27 : memref<79x128xi32, #tpu.memory_space<hbm>>) dst(%arg8 : memref<79x128xi32, #tpu.memory_space<vmem>>)
      tpu.yield
    }) : () -> ()
    %scan3A = arith.constant 0 : i32
    %scan3A_5 = arith.constant 79 : i32
    %scan3A_6 = arith.addi %scan3A, %scan3A_5 : i32
    %scan3A_7 = arith.constant 1 : i32
    scf.for %scan3A_14 = %scan3A to %scan3A_6 step %scan3A_7  : i32 {
      %mul3A_15 = arith.constant 1 : i32
      %mul3A_16 = arith.muli %scan3A_14, %mul3A_15 : i32
      %add3A_17 = arith.constant 0 : i32
      %add3A_18 = arith.addi %add3A_17, %mul3A_16 : i32
      %dma_start3A = arith.constant 0 : i32
      %dma_start3A_19 = tpu.memref_slice %arg7[%add3A_18, %dma_start3A] : memref<79x128xi32, #tpu.memory_space<vmem>> -> memref<1x128xi32, #tpu.memory_space<vmem>>
      %dma_start3A_20 = tpu.memref_squeeze %dma_start3A_19 : memref<1x128xi32, #tpu.memory_space<vmem>> -> memref<128xi32, #tpu.memory_space<vmem>>
      %dma_start3A_21 = arith.constant 0 : i32
      %dma_start3A_22 = arith.constant 0 : i32
      %dma_start3A_23 = tpu.memref_slice %arg2[%dma_start3A_21, %dma_start3A_22] : memref<10000x128xf32, #tpu.memory_space<hbm>> -> memref<10000x128xf32, #tpu.memory_space<hbm>>
      tpu.enqueue_indirect_dma source(%dma_start3A_23 : memref<10000x128xf32, #tpu.memory_space<hbm>>) target(%arg9 : memref<128x128xf32, #tpu.memory_space<vmem>>) offsets(%dma_start3A_20 : memref<128xi32, #tpu.memory_space<vmem>>) semaphore(%arg11 : memref<!tpu.dma_semaphore, #tpu.memory_space<semaphore_mem>>)
      %dma_wait3A = arith.constant 0 : i32
      %dma_wait3A_24 = tpu.memref_slice %arg7[%add3A_18, %dma_wait3A] : memref<79x128xi32, #tpu.memory_space<vmem>> -> memref<1x128xi32, #tpu.memory_space<vmem>>
      %dma_wait3A_25 = tpu.memref_squeeze %dma_wait3A_24 : memref<1x128xi32, #tpu.memory_space<vmem>> -> memref<128xi32, #tpu.memory_space<vmem>>
      %dma_wait3A_26 = arith.constant 0 : i32
      %dma_wait3A_27 = arith.constant 0 : i32
      %dma_wait3A_28 = tpu.memref_slice %arg2[%dma_wait3A_26, %dma_wait3A_27] : memref<10000x128xf32, #tpu.memory_space<hbm>> -> memref<10000x128xf32, #tpu.memory_space<hbm>>
      tpu.wait_indirect_dma semaphore(%arg11 : memref<!tpu.dma_semaphore, #tpu.memory_space<semaphore_mem>>) src(%dma_wait3A_28 : memref<10000x128xf32, #tpu.memory_space<hbm>>) dst(%arg9 : memref<128x128xf32, #tpu.memory_space<vmem>>)
      "tpu.region"() ({
        %run_scoped3A = tpu.sem_alloc : memref<!tpu.dma_semaphore, #tpu.memory_space<semaphore_mem>>
        %dma_start3A_29 = arith.constant 0 : i32
        %dma_start3A_30 = tpu.memref_slice %arg8[%add3A_18, %dma_start3A_29] : memref<79x128xi32, #tpu.memory_space<vmem>> -> memref<1x128xi32, #tpu.memory_space<vmem>>
        %dma_start3A_31 = tpu.memref_squeeze %dma_start3A_30 : memref<1x128xi32, #tpu.memory_space<vmem>> -> memref<128xi32, #tpu.memory_space<vmem>>
        %dma_start3A_32 = arith.constant 0 : i32
        %dma_start3A_33 = arith.constant 0 : i32
        %dma_start3A_34 = tpu.memref_slice %arg10[%dma_start3A_32, %dma_start3A_33] : memref<10240x128xf32, #tpu.memory_space<vmem_shared>> -> memref<10240x128xf32, #tpu.memory_space<vmem_shared>>
        tpu.enqueue_indirect_dma source(%arg9 : memref<128x128xf32, #tpu.memory_space<vmem>>) target(%dma_start3A_34 : memref<10240x128xf32, #tpu.memory_space<vmem_shared>>) offsets(%dma_start3A_31 : memref<128xi32, #tpu.memory_space<vmem>>) semaphore(%run_scoped3A : memref<!tpu.dma_semaphore, #tpu.memory_space<semaphore_mem>>) {add = true}
        %dma_wait3A_35 = arith.constant 0 : i32
        %dma_wait3A_36 = tpu.memref_slice %arg8[%add3A_18, %dma_wait3A_35] : memref<79x128xi32, #tpu.memory_space<vmem>> -> memref<1x128xi32, #tpu.memory_space<vmem>>
        %dma_wait3A_37 = tpu.memref_squeeze %dma_wait3A_36 : memref<1x128xi32, #tpu.memory_space<vmem>> -> memref<128xi32, #tpu.memory_space<vmem>>
        %dma_wait3A_38 = arith.constant 0 : i32
        %dma_wait3A_39 = arith.constant 0 : i32
        %dma_wait3A_40 = tpu.memref_slice %arg10[%dma_wait3A_38, %dma_wait3A_39] : memref<10240x128xf32, #tpu.memory_space<vmem_shared>> -> memref<10240x128xf32, #tpu.memory_space<vmem_shared>>
        tpu.wait_indirect_dma semaphore(%run_scoped3A : memref<!tpu.dma_semaphore, #tpu.memory_space<semaphore_mem>>) src(%arg9 : memref<128x128xf32, #tpu.memory_space<vmem>>) dst(%dma_wait3A_40 : memref<10240x128xf32, #tpu.memory_space<vmem_shared>>)
        tpu.yield
      }) : () -> ()
    }
    %scan3A_8 = arith.constant 79 : i32
    %barrier3A_9 = arith.constant 0 : index
    tpu.barrier barrier_id(%barrier3A_9)
    %mul3A_10 = arith.constant 640 : i32
    %mul3A_11 = arith.muli %arg1, %mul3A_10 : i32
    %mul3A_12 = arith.constant 640 : i32
    %mul3A_13 = arith.muli %arg1, %mul3A_12 : i32
    "tpu.region"() ({
      %run_scoped3A = tpu.sem_alloc : memref<!tpu.dma_semaphore, #tpu.memory_space<semaphore_mem>>
      %dma_start3A = arith.constant 0 : i32
      %dma_start3A_14 = tpu.memref_slice %arg6[%arg0, %mul3A_13, %dma_start3A] : memref<2x10240x128xf32, #tpu.memory_space<hbm>> -> memref<1x640x128xf32, #tpu.memory_space<hbm>>
      %dma_start3A_15 = tpu.memref_squeeze %dma_start3A_14 : memref<1x640x128xf32, #tpu.memory_space<hbm>> -> memref<640x128xf32, #tpu.memory_space<hbm>>
      %dma_start3A_16 = arith.constant 0 : i32
      %dma_start3A_17 = tpu.memref_slice %arg10[%mul3A_11, %dma_start3A_16] : memref<10240x128xf32, #tpu.memory_space<vmem_shared>> -> memref<640x128xf32, #tpu.memory_space<vmem_shared>>
      tpu.enqueue_dma source(%dma_start3A_17 : memref<640x128xf32, #tpu.memory_space<vmem_shared>>) target(%dma_start3A_15 : memref<640x128xf32, #tpu.memory_space<hbm>>) target_semaphore(%run_scoped3A : memref<!tpu.dma_semaphore, #tpu.memory_space<semaphore_mem>>)
      %dma_wait3A = arith.constant 0 : i32
      %dma_wait3A_18 = tpu.memref_slice %arg6[%arg0, %mul3A_13, %dma_wait3A] : memref<2x10240x128xf32, #tpu.memory_space<hbm>> -> memref<1x640x128xf32, #tpu.memory_space<hbm>>
      %dma_wait3A_19 = tpu.memref_squeeze %dma_wait3A_18 : memref<1x640x128xf32, #tpu.memory_space<hbm>> -> memref<640x128xf32, #tpu.memory_space<hbm>>
      %dma_wait3A_20 = arith.constant 0 : i32
      %dma_wait3A_21 = tpu.memref_slice %arg10[%mul3A_11, %dma_wait3A_20] : memref<10240x128xf32, #tpu.memory_space<vmem_shared>> -> memref<640x128xf32, #tpu.memory_space<vmem_shared>>
      tpu.wait_dma2 semaphore(%run_scoped3A : memref<!tpu.dma_semaphore, #tpu.memory_space<semaphore_mem>>) src(%dma_wait3A_21 : memref<640x128xf32, #tpu.memory_space<vmem_shared>>) dst(%dma_wait3A_19 : memref<640x128xf32, #tpu.memory_space<hbm>>)
      tpu.yield
    }) : () -> ()
    return
  }
}

module attributes {stable_mosaic.version = 14 : i64} {
  func.func @_mid_body(%arg0: i32, %arg1: memref<2000x128xf32, #tpu.memory_space<vmem>>, %arg2: memref<2x2000x128xf32, #tpu.memory_space<vmem>>, %arg3: memref<128x256xf32, #tpu.memory_space<vmem>>, %arg4: memref<1x256xf32, #tpu.memory_space<vmem>>, %arg5: memref<256x128xf32, #tpu.memory_space<vmem>>, %arg6: memref<1x128xf32, #tpu.memory_space<vmem>>, %arg7: memref<1x1xf32, #tpu.memory_space<vmem>>, %arg8: memref<128x1xf32, #tpu.memory_space<vmem>>, %arg9: memref<2000x128xf32, #tpu.memory_space<vmem>>) attributes {dimension_semantics = [#tpu.dimension_semantics<arbitrary>], iteration_bounds = array<i64: 5>, scalar_prefetch = 0 : i64, scratch_operands = 0 : i64, tpu.core_type = #tpu.core_type<tc>, window_params = [{transform_indices = @transform_0, window_bounds = array<i64: 2000, 128>}, {transform_indices = @transform_1, window_bounds = array<i64: 2, 2000, 128>}, {pipeline_mode = #tpu.pipeline_mode<synchronous>, transform_indices = @transform_2, window_bounds = array<i64: 128, 256>}, {pipeline_mode = #tpu.pipeline_mode<synchronous>, transform_indices = @transform_3, window_bounds = array<i64: 1, 256>}, {pipeline_mode = #tpu.pipeline_mode<synchronous>, transform_indices = @transform_4, window_bounds = array<i64: 256, 128>}, {pipeline_mode = #tpu.pipeline_mode<synchronous>, transform_indices = @transform_5, window_bounds = array<i64: 1, 128>}, {pipeline_mode = #tpu.pipeline_mode<synchronous>, transform_indices = @transform_6, window_bounds = array<i64: 1, 1>}, {pipeline_mode = #tpu.pipeline_mode<synchronous>, transform_indices = @transform_7, window_bounds = array<i64: 128, 1>}, {transform_indices = @transform_8, window_bounds = array<i64: 2000, 128>}]} {
    %get3A = arith.constant 0 : index
    %get3A_0 = arith.constant 0 : index
    %get3A_1 = vector.load %arg1[%get3A, %get3A_0] : memref<2000x128xf32, #tpu.memory_space<vmem>>, vector<2000x128xf32>
    %get3A_2 = arith.constant 0 : index
    %get3A_3 = arith.constant 0 : index
    %get3A_4 = vector.load %arg7[%get3A_2, %get3A_3] : memref<1x1xf32, #tpu.memory_space<vmem>>, vector<1x1xf32>
    %add3A = arith.constant 1.000000e+00 : f32
    %add3A_5 = vector.broadcast %add3A : f32 to vector<1x1xf32>
    %add3A_6 = arith.addf %add3A_5, %get3A_4 : vector<1x1xf32>
    %mul3A = vector.broadcast %add3A_6 : vector<1x1xf32> to vector<2000x128xf32>
    %mul3A_7 = arith.mulf %get3A_1, %mul3A : vector<2000x128xf32>
    %get3A_8 = arith.constant 0 : index
    %get3A_9 = arith.constant 0 : index
    %get3A_10 = arith.constant 0 : index
    %get3A_11 = vector.load %arg2[%get3A_8, %get3A_9, %get3A_10] : memref<2x2000x128xf32, #tpu.memory_space<vmem>>, vector<1x2000x128xf32>
    %get3A_12 = vector.shape_cast %get3A_11 : vector<1x2000x128xf32> to vector<2000x128xf32>
    %add3A_13 = arith.addf %mul3A_7, %get3A_12 : vector<2000x128xf32>
    %get3A_14 = arith.constant 1 : index
    %get3A_15 = arith.constant 0 : index
    %get3A_16 = arith.constant 0 : index
    %get3A_17 = vector.load %arg2[%get3A_14, %get3A_15, %get3A_16] : memref<2x2000x128xf32, #tpu.memory_space<vmem>>, vector<1x2000x128xf32>
    %get3A_18 = vector.shape_cast %get3A_17 : vector<1x2000x128xf32> to vector<2000x128xf32>
    %add3A_19 = arith.addf %add3A_13, %get3A_18 : vector<2000x128xf32>
    %get3A_20 = arith.constant 0 : index
    %get3A_21 = arith.constant 0 : index
    %get3A_22 = vector.load %arg3[%get3A_20, %get3A_21] : memref<128x256xf32, #tpu.memory_space<vmem>>, vector<128x256xf32>
    %dot_general3A = arith.constant dense<0.000000e+00> : vector<2000x256xf32>
    %dot_general3A_23 = tpu.matmul %add3A_19, %get3A_22, %dot_general3A {dimension_numbers = #tpu.dot_dimension_numbers<[1], [0], [0], [1], [0, 0, 1, 1], [], []>, transpose_lhs_hint = false} : vector<2000x128xf32>, vector<128x256xf32>, vector<2000x256xf32> -> vector<2000x256xf32>
    %get3A_24 = arith.constant 0 : index
    %get3A_25 = arith.constant 0 : index
    %get3A_26 = vector.load %arg4[%get3A_24, %get3A_25] : memref<1x256xf32, #tpu.memory_space<vmem>>, vector<1x256xf32>
    %add3A_27 = vector.broadcast %get3A_26 : vector<1x256xf32> to vector<2000x256xf32>
    %add3A_28 = arith.addf %dot_general3A_23, %add3A_27 : vector<2000x256xf32>
    %max3A = arith.constant 0.000000e+00 : f32
    %max3A_29 = vector.broadcast %max3A : f32 to vector<2000x256xf32>
    %max3A_30 = arith.maximumf %add3A_28, %max3A_29 : vector<2000x256xf32>
    %get3A_31 = arith.constant 0 : index
    %get3A_32 = arith.constant 0 : index
    %get3A_33 = vector.load %arg5[%get3A_31, %get3A_32] : memref<256x128xf32, #tpu.memory_space<vmem>>, vector<256x128xf32>
    %dot_general3A_34 = arith.constant dense<0.000000e+00> : vector<2000x128xf32>
    %dot_general3A_35 = tpu.matmul %max3A_30, %get3A_33, %dot_general3A_34 {dimension_numbers = #tpu.dot_dimension_numbers<[1], [0], [0], [1], [0, 0, 1, 1], [], []>, transpose_lhs_hint = false} : vector<2000x256xf32>, vector<256x128xf32>, vector<2000x128xf32> -> vector<2000x128xf32>
    %get3A_36 = arith.constant 0 : index
    %get3A_37 = arith.constant 0 : index
    %get3A_38 = vector.load %arg6[%get3A_36, %get3A_37] : memref<1x128xf32, #tpu.memory_space<vmem>>, vector<1x128xf32>
    %add3A_39 = vector.broadcast %get3A_38 : vector<1x128xf32> to vector<2000x128xf32>
    %add3A_40 = arith.addf %dot_general3A_35, %add3A_39 : vector<2000x128xf32>
    %max3A_41 = arith.constant 0.000000e+00 : f32
    %max3A_42 = vector.broadcast %max3A_41 : f32 to vector<2000x128xf32>
    %max3A_43 = arith.maximumf %add3A_40, %max3A_42 : vector<2000x128xf32>
    %get3A_44 = arith.constant 0 : index
    %get3A_45 = arith.constant 0 : index
    %get3A_46 = vector.load %arg8[%get3A_44, %get3A_45] : memref<128x1xf32, #tpu.memory_space<vmem>>, vector<128x1xf32>
    %dot_general3A_47 = arith.constant dense<0.000000e+00> : vector<2000x1xf32>
    %dot_general3A_48 = tpu.matmul %max3A_43, %get3A_46, %dot_general3A_47 {dimension_numbers = #tpu.dot_dimension_numbers<[1], [0], [0], [1], [0, 0, 1, 1], [], []>, transpose_lhs_hint = false} : vector<2000x128xf32>, vector<128x1xf32>, vector<2000x1xf32> -> vector<2000x1xf32>
    %tanh3A = math.tanh %dot_general3A_48 : vector<2000x1xf32>
    %mul3A_49 = vector.broadcast %tanh3A : vector<2000x1xf32> to vector<2000x128xf32>
    %mul3A_50 = arith.mulf %max3A_43, %mul3A_49 : vector<2000x128xf32>
    %swap3A = arith.constant 0 : index
    %swap3A_51 = arith.constant 0 : index
    %swap3A_52 = vector.load %arg9[%swap3A, %swap3A_51] : memref<2000x128xf32, #tpu.memory_space<vmem>>, vector<2000x128xf32>
    tpu.vector_store %arg9[%swap3A, %swap3A_51], %mul3A_50 {strides = array<i32>} : memref<2000x128xf32, #tpu.memory_space<vmem>>, vector<2000x128xf32>,
    return
  }
  func.func @transform_0(%arg0: i32) -> (i32, i32) {
    %c0_i32 = arith.constant 0 : i32
    %c0_i32_0 = arith.constant 0 : i32
    return %arg0, %c0_i32 : i32, i32
  }
  func.func @transform_1(%arg0: i32) -> (i32, i32, i32) {
    %c0_i32 = arith.constant 0 : i32
    %c0_i32_0 = arith.constant 0 : i32
    %c0_i32_1 = arith.constant 0 : i32
    return %c0_i32, %arg0, %c0_i32_0 : i32, i32, i32
  }
  func.func @transform_2(%arg0: i32) -> (i32, i32) {
    %c0_i32 = arith.constant 0 : i32
    %c0_i32_0 = arith.constant 0 : i32
    %c0_i32_1 = arith.constant 0 : i32
    return %c0_i32, %c0_i32_0 : i32, i32
  }
  func.func @transform_3(%arg0: i32) -> (i32, i32) {
    %c0_i32 = arith.constant 0 : i32
    %c0_i32_0 = arith.constant 0 : i32
    %c0_i32_1 = arith.constant 0 : i32
    return %c0_i32, %c0_i32_0 : i32, i32
  }
  func.func @transform_4(%arg0: i32) -> (i32, i32) {
    %c0_i32 = arith.constant 0 : i32
    %c0_i32_0 = arith.constant 0 : i32
    %c0_i32_1 = arith.constant 0 : i32
    return %c0_i32, %c0_i32_0 : i32, i32
  }
  func.func @transform_5(%arg0: i32) -> (i32, i32) {
    %c0_i32 = arith.constant 0 : i32
    %c0_i32_0 = arith.constant 0 : i32
    %c0_i32_1 = arith.constant 0 : i32
    return %c0_i32, %c0_i32_0 : i32, i32
  }
  func.func @transform_6(%arg0: i32) -> (i32, i32) {
    %c0_i32 = arith.constant 0 : i32
    %c0_i32_0 = arith.constant 0 : i32
    %c0_i32_1 = arith.constant 0 : i32
    return %c0_i32, %c0_i32_0 : i32, i32
  }
  func.func @transform_7(%arg0: i32) -> (i32, i32) {
    %c0_i32 = arith.constant 0 : i32
    %c0_i32_0 = arith.constant 0 : i32
    %c0_i32_1 = arith.constant 0 : i32
    return %c0_i32, %c0_i32_0 : i32, i32
  }
  func.func @transform_8(%arg0: i32) -> (i32, i32) {
    %c0_i32 = arith.constant 0 : i32
    %c0_i32_0 = arith.constant 0 : i32
    return %arg0, %c0_i32 : i32, i32
  }
}

module attributes {stable_mosaic.version = 14 : i64} {
  func.func @_last_body(%arg0: i32, %arg1: memref<2000x128xf32, #tpu.memory_space<vmem>>, %arg2: memref<2x2000x128xf32, #tpu.memory_space<vmem>>, %arg3: memref<128x256xf32, #tpu.memory_space<vmem>>, %arg4: memref<1x256xf32, #tpu.memory_space<vmem>>, %arg5: memref<256x128xf32, #tpu.memory_space<vmem>>, %arg6: memref<1x128xf32, #tpu.memory_space<vmem>>, %arg7: memref<1x1xf32, #tpu.memory_space<vmem>>, %arg8: memref<128x1xf32, #tpu.memory_space<vmem>>, %arg9: memref<1x1x2000xi32, #tpu.memory_space<vmem>>, %arg10: memref<128x1xf32, #tpu.memory_space<vmem>>, %arg11: memref<1x1xf32, #tpu.memory_space<vmem>>, %arg12: memref<64x128xf32, #tpu.memory_space<vmem>>, %arg13: memref<64x1xf32, #tpu.memory_space<vmem>>) attributes {dimension_semantics = [#tpu.dimension_semantics<arbitrary>], iteration_bounds = array<i64: 5>, scalar_prefetch = 0 : i64, scratch_operands = 0 : i64, tpu.core_type = #tpu.core_type<tc>, window_params = [{transform_indices = @transform_0, window_bounds = array<i64: 2000, 128>}, {transform_indices = @transform_1, window_bounds = array<i64: 2, 2000, 128>}, {pipeline_mode = #tpu.pipeline_mode<synchronous>, transform_indices = @transform_2, window_bounds = array<i64: 128, 256>}, {pipeline_mode = #tpu.pipeline_mode<synchronous>, transform_indices = @transform_3, window_bounds = array<i64: 1, 256>}, {pipeline_mode = #tpu.pipeline_mode<synchronous>, transform_indices = @transform_4, window_bounds = array<i64: 256, 128>}, {pipeline_mode = #tpu.pipeline_mode<synchronous>, transform_indices = @transform_5, window_bounds = array<i64: 1, 128>}, {pipeline_mode = #tpu.pipeline_mode<synchronous>, transform_indices = @transform_6, window_bounds = array<i64: 1, 1>}, {pipeline_mode = #tpu.pipeline_mode<synchronous>, transform_indices = @transform_7, window_bounds = array<i64: 128, 1>}, {transform_indices = @transform_8, window_bounds = array<i64: 1, 1, 2000>}, {pipeline_mode = #tpu.pipeline_mode<synchronous>, transform_indices = @transform_9, window_bounds = array<i64: 128, 1>}, {pipeline_mode = #tpu.pipeline_mode<synchronous>, transform_indices = @transform_10, window_bounds = array<i64: 1, 1>}, {pipeline_mode = #tpu.pipeline_mode<synchronous>, transform_indices = @transform_11, window_bounds = array<i64: 64, 128>}, {pipeline_mode = #tpu.pipeline_mode<synchronous>, transform_indices = @transform_12, window_bounds = array<i64: 64, 1>}]} {
    %get3A = arith.constant 0 : index
    %get3A_0 = arith.constant 0 : index
    %get3A_1 = vector.load %arg1[%get3A, %get3A_0] : memref<2000x128xf32, #tpu.memory_space<vmem>>, vector<2000x128xf32>
    %get3A_2 = arith.constant 0 : index
    %get3A_3 = arith.constant 0 : index
    %get3A_4 = vector.load %arg7[%get3A_2, %get3A_3] : memref<1x1xf32, #tpu.memory_space<vmem>>, vector<1x1xf32>
    %add3A = arith.constant 1.000000e+00 : f32
    %add3A_5 = vector.broadcast %add3A : f32 to vector<1x1xf32>
    %add3A_6 = arith.addf %add3A_5, %get3A_4 : vector<1x1xf32>
    %mul3A = vector.broadcast %add3A_6 : vector<1x1xf32> to vector<2000x128xf32>
    %mul3A_7 = arith.mulf %get3A_1, %mul3A : vector<2000x128xf32>
    %get3A_8 = arith.constant 0 : index
    %get3A_9 = arith.constant 0 : index
    %get3A_10 = arith.constant 0 : index
    %get3A_11 = vector.load %arg2[%get3A_8, %get3A_9, %get3A_10] : memref<2x2000x128xf32, #tpu.memory_space<vmem>>, vector<1x2000x128xf32>
    %get3A_12 = vector.shape_cast %get3A_11 : vector<1x2000x128xf32> to vector<2000x128xf32>
    %add3A_13 = arith.addf %mul3A_7, %get3A_12 : vector<2000x128xf32>
    %get3A_14 = arith.constant 1 : index
    %get3A_15 = arith.constant 0 : index
    %get3A_16 = arith.constant 0 : index
    %get3A_17 = vector.load %arg2[%get3A_14, %get3A_15, %get3A_16] : memref<2x2000x128xf32, #tpu.memory_space<vmem>>, vector<1x2000x128xf32>
    %get3A_18 = vector.shape_cast %get3A_17 : vector<1x2000x128xf32> to vector<2000x128xf32>
    %add3A_19 = arith.addf %add3A_13, %get3A_18 : vector<2000x128xf32>
    %get3A_20 = arith.constant 0 : index
    %get3A_21 = arith.constant 0 : index
    %get3A_22 = vector.load %arg3[%get3A_20, %get3A_21] : memref<128x256xf32, #tpu.memory_space<vmem>>, vector<128x256xf32>
    %dot_general3A = arith.constant dense<0.000000e+00> : vector<2000x256xf32>
    %dot_general3A_23 = tpu.matmul %add3A_19, %get3A_22, %dot_general3A {dimension_numbers = #tpu.dot_dimension_numbers<[1], [0], [0], [1], [0, 0, 1, 1], [], []>, transpose_lhs_hint = false} : vector<2000x128xf32>, vector<128x256xf32>, vector<2000x256xf32> -> vector<2000x256xf32>
    %get3A_24 = arith.constant 0 : index
    %get3A_25 = arith.constant 0 : index
    %get3A_26 = vector.load %arg4[%get3A_24, %get3A_25] : memref<1x256xf32, #tpu.memory_space<vmem>>, vector<1x256xf32>
    %add3A_27 = vector.broadcast %get3A_26 : vector<1x256xf32> to vector<2000x256xf32>
    %add3A_28 = arith.addf %dot_general3A_23, %add3A_27 : vector<2000x256xf32>
    %max3A = arith.constant 0.000000e+00 : f32
    %max3A_29 = vector.broadcast %max3A : f32 to vector<2000x256xf32>
    %max3A_30 = arith.maximumf %add3A_28, %max3A_29 : vector<2000x256xf32>
    %get3A_31 = arith.constant 0 : index
    %get3A_32 = arith.constant 0 : index
    %get3A_33 = vector.load %arg5[%get3A_31, %get3A_32] : memref<256x128xf32, #tpu.memory_space<vmem>>, vector<256x128xf32>
    %dot_general3A_34 = arith.constant dense<0.000000e+00> : vector<2000x128xf32>
    %dot_general3A_35 = tpu.matmul %max3A_30, %get3A_33, %dot_general3A_34 {dimension_numbers = #tpu.dot_dimension_numbers<[1], [0], [0], [1], [0, 0, 1, 1], [], []>, transpose_lhs_hint = false} : vector<2000x256xf32>, vector<256x128xf32>, vector<2000x128xf32> -> vector<2000x128xf32>
    %get3A_36 = arith.constant 0 : index
    %get3A_37 = arith.constant 0 : index
    %get3A_38 = vector.load %arg6[%get3A_36, %get3A_37] : memref<1x128xf32, #tpu.memory_space<vmem>>, vector<1x128xf32>
    %add3A_39 = vector.broadcast %get3A_38 : vector<1x128xf32> to vector<2000x128xf32>
    %add3A_40 = arith.addf %dot_general3A_35, %add3A_39 : vector<2000x128xf32>
    %get3A_41 = arith.constant 0 : index
    %get3A_42 = arith.constant 0 : index
    %get3A_43 = vector.load %arg8[%get3A_41, %get3A_42] : memref<128x1xf32, #tpu.memory_space<vmem>>, vector<128x1xf32>
    %dot_general3A_44 = arith.constant dense<0.000000e+00> : vector<2000x1xf32>
    %dot_general3A_45 = tpu.matmul %add3A_40, %get3A_43, %dot_general3A_44 {dimension_numbers = #tpu.dot_dimension_numbers<[1], [0], [0], [1], [0, 0, 1, 1], [], []>, transpose_lhs_hint = false} : vector<2000x128xf32>, vector<128x1xf32>, vector<2000x1xf32> -> vector<2000x1xf32>
    %tanh3A = math.tanh %dot_general3A_45 : vector<2000x1xf32>
    %mul3A_46 = vector.broadcast %tanh3A : vector<2000x1xf32> to vector<2000x128xf32>
    %mul3A_47 = arith.mulf %add3A_40, %mul3A_46 : vector<2000x128xf32>
    %get3A_48 = arith.constant 0 : index
    %get3A_49 = arith.constant 0 : index
    %get3A_50 = arith.constant 0 : index
    %get3A_51 = vector.load %arg9[%get3A_48, %get3A_49, %get3A_50] : memref<1x1x2000xi32, #tpu.memory_space<vmem>>, vector<1x1x2000xi32>
    %reshape3A = vector.shape_cast %get3A_51 : vector<1x1x2000xi32> to vector<1x2000xi32>
    %iota3A = tpu.iota {dimensions = array<i32: 0>} : vector<64x2000xi32>
    %eq3A = vector.broadcast %reshape3A : vector<1x2000xi32> to vector<64x2000xi32>
    %eq3A_52 = arith.cmpi eq, %iota3A, %eq3A : vector<64x2000xi32>
    %convert_element_type3A = arith.extui %eq3A_52 : vector<64x2000xi1> to vector<64x2000xi32>
    %convert_element_type3A_53 = arith.sitofp %convert_element_type3A : vector<64x2000xi32> to vector<64x2000xf32>
    %dot_general3A_54 = arith.constant dense<0.000000e+00> : vector<64x128xf32>
    %dot_general3A_55 = tpu.matmul %convert_element_type3A_53, %mul3A_47, %dot_general3A_54 {dimension_numbers = #tpu.dot_dimension_numbers<[1], [0], [0], [1], [0, 0, 1, 1], [], []>, precision = #tpu.contract_precision<fp32>, transpose_lhs_hint = false} : vector<64x2000xf32>, vector<2000x128xf32>, vector<64x128xf32> -> vector<64x128xf32>
    %eq3A_56 = arith.constant 0 : i32
    %eq3A_57 = arith.cmpi eq, %arg0, %eq3A_56 : i32
    %convert_element_type3A_58 = arith.extui %eq3A_57 : i1 to i32
    %cond3A = arith.constant 0 : i32
    %cond3A_59 = arith.cmpi ne, %convert_element_type3A_58, %cond3A : i32
    scf.if %cond3A_59 {
      %swap3A = arith.constant 0 : index
      %swap3A_69 = arith.constant 0 : index
      %swap3A_70 = vector.load %arg12[%swap3A, %swap3A_69] : memref<64x128xf32, #tpu.memory_space<vmem>>, vector<64x128xf32>
      tpu.vector_store %arg12[%swap3A, %swap3A_69], %dot_general3A_55 {strides = array<i32>} : memref<64x128xf32, #tpu.memory_space<vmem>>, vector<64x128xf32>,
    } else {
    }
    %ne3A = arith.constant 0 : i32
    %ne3A_60 = arith.cmpi ne, %arg0, %ne3A : i32
    %convert_element_type3A_61 = arith.extui %ne3A_60 : i1 to i32
    %cond3A_62 = arith.constant 0 : i32
    %cond3A_63 = arith.cmpi ne, %convert_element_type3A_61, %cond3A_62 : i32
    scf.if %cond3A_63 {
      %get3A_69 = arith.constant 0 : index
      %get3A_70 = arith.constant 0 : index
      %get3A_71 = vector.load %arg12[%get3A_69, %get3A_70] : memref<64x128xf32, #tpu.memory_space<vmem>>, vector<64x128xf32>
      %add3A_72 = arith.addf %get3A_71, %dot_general3A_55 : vector<64x128xf32>
      %swap3A = arith.constant 0 : index
      %swap3A_73 = arith.constant 0 : index
      %swap3A_74 = vector.load %arg12[%swap3A, %swap3A_73] : memref<64x128xf32, #tpu.memory_space<vmem>>, vector<64x128xf32>
      tpu.vector_store %arg12[%swap3A, %swap3A_73], %add3A_72 {strides = array<i32>} : memref<64x128xf32, #tpu.memory_space<vmem>>, vector<64x128xf32>,
    } else {
    }
    %eq3A_64 = arith.constant 4 : i32
    %eq3A_65 = arith.cmpi eq, %arg0, %eq3A_64 : i32
    %convert_element_type3A_66 = arith.extui %eq3A_65 : i1 to i32
    %cond3A_67 = arith.constant 0 : i32
    %cond3A_68 = arith.cmpi ne, %convert_element_type3A_66, %cond3A_67 : i32
    scf.if %cond3A_68 {
      %get3A_69 = arith.constant 0 : index
      %get3A_70 = arith.constant 0 : index
      %get3A_71 = vector.load %arg12[%get3A_69, %get3A_70] : memref<64x128xf32, #tpu.memory_space<vmem>>, vector<64x128xf32>
      %get3A_72 = arith.constant 0 : index
      %get3A_73 = arith.constant 0 : index
      %get3A_74 = vector.load %arg10[%get3A_72, %get3A_73] : memref<128x1xf32, #tpu.memory_space<vmem>>, vector<128x1xf32>
      %dot_general3A_75 = arith.constant dense<0.000000e+00> : vector<64x1xf32>
      %dot_general3A_76 = tpu.matmul %get3A_71, %get3A_74, %dot_general3A_75 {dimension_numbers = #tpu.dot_dimension_numbers<[1], [0], [0], [1], [0, 0, 1, 1], [], []>, transpose_lhs_hint = false} : vector<64x128xf32>, vector<128x1xf32>, vector<64x1xf32> -> vector<64x1xf32>
      %get3A_77 = arith.constant 0 : index
      %get3A_78 = arith.constant 0 : index
      %get3A_79 = vector.load %arg11[%get3A_77, %get3A_78] : memref<1x1xf32, #tpu.memory_space<vmem>>, vector<1x1xf32>
      %add3A_80 = vector.broadcast %get3A_79 : vector<1x1xf32> to vector<64x1xf32>
      %add3A_81 = arith.addf %dot_general3A_76, %add3A_80 : vector<64x1xf32>
      %swap3A = arith.constant 0 : index
      %swap3A_82 = arith.constant 0 : index
      %swap3A_83 = vector.load %arg13[%swap3A, %swap3A_82] : memref<64x1xf32, #tpu.memory_space<vmem>>, vector<64x1xf32>
      tpu.vector_store %arg13[%swap3A, %swap3A_82], %add3A_81 {strides = array<i32>} : memref<64x1xf32, #tpu.memory_space<vmem>>, vector<64x1xf32>,
    } else {
    }
    return
  }
  func.func @transform_0(%arg0: i32) -> (i32, i32) {
    %c0_i32 = arith.constant 0 : i32
    %c0_i32_0 = arith.constant 0 : i32
    return %arg0, %c0_i32 : i32, i32
  }
  func.func @transform_1(%arg0: i32) -> (i32, i32, i32) {
    %c0_i32 = arith.constant 0 : i32
    %c0_i32_0 = arith.constant 0 : i32
    %c0_i32_1 = arith.constant 0 : i32
    return %c0_i32, %arg0, %c0_i32_0 : i32, i32, i32
  }
  func.func @transform_2(%arg0: i32) -> (i32, i32) {
    %c0_i32 = arith.constant 0 : i32
    %c0_i32_0 = arith.constant 0 : i32
    %c0_i32_1 = arith.constant 0 : i32
    return %c0_i32, %c0_i32_0 : i32, i32
  }
  func.func @transform_3(%arg0: i32) -> (i32, i32) {
    %c0_i32 = arith.constant 0 : i32
    %c0_i32_0 = arith.constant 0 : i32
    %c0_i32_1 = arith.constant 0 : i32
    return %c0_i32, %c0_i32_0 : i32, i32
  }
  func.func @transform_4(%arg0: i32) -> (i32, i32) {
    %c0_i32 = arith.constant 0 : i32
    %c0_i32_0 = arith.constant 0 : i32
    %c0_i32_1 = arith.constant 0 : i32
    return %c0_i32, %c0_i32_0 : i32, i32
  }
  func.func @transform_5(%arg0: i32) -> (i32, i32) {
    %c0_i32 = arith.constant 0 : i32
    %c0_i32_0 = arith.constant 0 : i32
    %c0_i32_1 = arith.constant 0 : i32
    return %c0_i32, %c0_i32_0 : i32, i32
  }
  func.func @transform_6(%arg0: i32) -> (i32, i32) {
    %c0_i32 = arith.constant 0 : i32
    %c0_i32_0 = arith.constant 0 : i32
    %c0_i32_1 = arith.constant 0 : i32
    return %c0_i32, %c0_i32_0 : i32, i32
  }
  func.func @transform_7(%arg0: i32) -> (i32, i32) {
    %c0_i32 = arith.constant 0 : i32
    %c0_i32_0 = arith.constant 0 : i32
    %c0_i32_1 = arith.constant 0 : i32
    return %c0_i32, %c0_i32_0 : i32, i32
  }
  func.func @transform_8(%arg0: i32) -> (i32, i32, i32) {
    %c0_i32 = arith.constant 0 : i32
    %c0_i32_0 = arith.constant 0 : i32
    %c0_i32_1 = arith.constant 0 : i32
    return %arg0, %c0_i32, %c0_i32_0 : i32, i32, i32
  }
  func.func @transform_9(%arg0: i32) -> (i32, i32) {
    %c0_i32 = arith.constant 0 : i32
    %c0_i32_0 = arith.constant 0 : i32
    %c0_i32_1 = arith.constant 0 : i32
    return %c0_i32, %c0_i32_0 : i32, i32
  }
  func.func @transform_10(%arg0: i32) -> (i32, i32) {
    %c0_i32 = arith.constant 0 : i32
    %c0_i32_0 = arith.constant 0 : i32
    %c0_i32_1 = arith.constant 0 : i32
    return %c0_i32, %c0_i32_0 : i32, i32
  }
  func.func @transform_11(%arg0: i32) -> (i32, i32) {
    %c0_i32 = arith.constant 0 : i32
    %c0_i32_0 = arith.constant 0 : i32
    %c0_i32_1 = arith.constant 0 : i32
    return %c0_i32, %c0_i32_0 : i32, i32
  }
  func.func @transform_12(%arg0: i32) -> (i32, i32) {
    %c0_i32 = arith.constant 0 : i32
    %c0_i32_0 = arith.constant 0 : i32
    %c0_i32_1 = arith.constant 0 : i32
    return %c0_i32, %c0_i32_0 : i32, i32
  }
}

</mosaic_0001>

<sc_bundles>
// kernel: kernel.12.cloned.1.call-start
scs
__scs_entry_jumppad:
0x0: {  	(pc) =	sbr.rel $0x88, $3  }
0x1: {  	(tag) =	ssettag $0x0;
	lr =	simm.s32 $0x1  }
0x2: {  	[smem:$0x3F96] =	sst lr;
	_ =	strace $0xD0000000  }
0x3: {  	_ = 	snop  }
0x4: {  	_ = 	snop  }
0x5: {  	_ = 	snop  }
0x6: {  	_ = 	snop  }
0x7: {  	_ = 	snop  }
__scs_overlays_trampoline_lowered:
0x8: {  	[smem:$0x3FA5] =	sst s0  }
0x9: {  	[smem:$0x3FA6] =	sst s1  }
0xa: {  	[smem:$0x3FA7] =	sst s2  }
0xb: {  	[smem:$0x3FA8] =	sst s3  }
0xc: {  	[smem:$0x3FA9] =	sst s4  }
0xd: {  	[smem:$0x3FAA] =	sst s5  }
0xe: {  	[smem:$0x3FAB] =	sst s6  }
0xf: {  	[smem:$0x3FAC] =	sst s7  }
0x10: {  	[smem:$0x3FAD] =	sst s8  }
0x11: {  	[smem:$0x3FAE] =	sst s9;
	s0 =	simm.s32 @!p0 $0x0  }
0x12: {  	s1 =	sld [smem:$0x3F94];
	s0 =	simm.s32 @p0 $0x1  }
0x13: {  	[smem:$0x3FAF] =	sst s0;
	s0 =	simm.s32 @!p1 $0x0  }
0x14: {  	s2 =	sld [smem:$0x3F93];
	s0 =	simm.s32 @p1 $0x1  }
0x15: {  	[smem:$0x3FB0] =	sst s0;
	s0 =	simm.s32 @!p2 $0x0  }
0x16: {  	s3 =	sld [smem:$0x3FDB];
	s0 =	simm.s32 @p2 $0x1  }
0x17: {  	s4 =	simm.s32 $0x1BF5;
	[smem:$0x3FB2] =	sst s0  }
0x18: {  	s0 =	sld [smem:$0x3F95];
	_ =	swait.ge [sflag:s4], $0x0  }
0x19: {  	s7 =	sld [smem:$0x3F96]  }
0x1a: {  	s8 =	sadd.s32 $0xFFFFE003, lr  }
0x1b: {  	s9 =	sadd.s32 $0xFFFFFEF7, lr;
	s5 =	simm.s32 $0xFFFFFFFF;
	p2 =	slt.u32 s8, $0xFFFFF086  }
0x1c: {  	p1 =	slt.u32 s9, $0xF7A;
	s5 =	simm.s32 @!p2 $0x0  }
0x1d: {  	s5 =	simm.s32 @p1 $0x1;
	p0 =	seq.s32 s7, s2  }
0x1e: {  	s7 =	smul.u32 @!p0 $0xF7A, s2;
	p2 =	seq.s32 @!p0 s5, $0x0  }
0x1f: {  	s9 =	smul.u32 $0xF7A, s1;
	s8 =	simm.s32 @!p0 $0x1BF5;
	p2 =	por !p2, p0  }
0x20: {  	[sflag:s8] =	ssyncset.s32 @!p0 $0xFFFFF086;
	s6 =	sadd.s32 @!p0 s3, s7;
	s7 =	simm.s32 @!p0 $0x108  }
0x21: {  	s3 =	sadd.s32 s3, s9;
	s6 =	sadd.s32 @!p0 $0x88, s6;
	s7 =	simm.s32 @p2 $0x1082  }
0x22: {  	[simem:s7], [sflag:s8] =	dma.local @!p0 [hbm:s6], $0xF7A  }
0x23: {  	s9 =	sor.u32 $0xD0000000, s2;
	s6 =	simm.s32 $0x108;
	_ =	swait.ge @!p0 [sflag:s8], $0x0  }
0x24: {  	s3 =	sadd.s32 $0x88, s3;
	s6 =	simm.s32 @!p1 $0x1082;
	[sflag:s4] =	ssyncset.s32 $0xFFFFF086  }
0x25: {  	[simem:s6], [sflag:s4] =	dma.local [hbm:s3], $0xF7A  }
0x26: {  	[smem:$0x3F96] =	sst s1;
	(tag) =	ssettag s2;
	_ =	strace s9  }
0x27: {  	s1 =	sld [smem:$0x3FA6]  }
0x28: {  	s2 =	sld [smem:$0x3FA7]  }
0x29: {  	s4 =	sld [smem:$0x3FA9]  }
0x2a: {  	p0 =	seq.s32 s5, $0x0;
	s5 =	sld [smem:$0x3FAA]  }
0x2b: {  	s6 =	sld [smem:$0x3FAB]  }
0x2c: {  	s7 =	sld [smem:$0x3FAC]  }
0x2d: {  	s3 =	simm.s32 $0x108;
	s8 =	sld [smem:$0x3FAD]  }
0x2e: {  	s3 =	simm.s32 @!p0 $0x1082;
	s9 =	sld [smem:$0x3FAE]  }
0x2f: {  	lr =	sadd.s32 s0, s3;
	s0 =	sld [smem:$0x3FA5]  }
0x30: {  	s3 =	sld [smem:$0x3FA8]  }
0x31: {  	[smem:$0x3FB1] =	sst s10  }
0x32: {  	s10 =	sld [smem:$0x3FAF];
	_ =	sdelay $0x3  }
0x33: {  	p0 =	seq.s32 s10, $0x1;
	s10 =	sld [smem:$0x3FB1];
	_ =	sdelay $0x3  }
0x34: {  	[smem:$0x3FB1] =	sst s10  }
0x35: {  	s10 =	sld [smem:$0x3FB0];
	_ =	sdelay $0x3  }
0x36: {  	p1 =	seq.s32 s10, $0x1;
	s10 =	sld [smem:$0x3FB1];
	_ =	sdelay $0x3  }
0x37: {  	[smem:$0x3FB1] =	sst s10  }
0x38: {  	s10 =	sld [smem:$0x3FB2]  }
0x39: {  	_ = 	snop;
	(pc) =	sbr.ind lr, $3  }
0x3a: {  	_ = 	snop  }
0x3b: {  	_ = 	snop  }
0x3c: {  	p2 =	seq.s32 s10, $0x1;
	s10 =	sld [smem:$0x3FB1]  }
0x3d: {  	_ =	shalt  }
0x3e: {  	_ =	shalt  }
0x3f: {  	_ =	shalt  }
0x40: {  	_ =	shalt  }
0x41: {  	_ =	shalt  }
0x42: {  	_ =	shalt  }
0x43: {  	_ =	shalt  }
0x44: {  	_ =	shalt  }
0x45: {  	_ =	shalt  }
0x46: {  	_ =	shalt  }
0x47: {  	_ =	shalt  }
0x48: {  	_ =	shalt  }
0x49: {  	_ =	shalt  }
0x4a: {  	_ =	shalt  }
0x4b: {  	_ =	shalt  }
0x4c: {  	_ =	shalt  }
0x4d: {  	_ =	shalt  }
0x4e: {  	_ =	shalt  }
0x4f: {  	_ =	shalt  }
0x50: {  	_ =	shalt  }
0x51: {  	_ =	shalt  }
0x52: {  	_ =	shalt  }
0x53: {  	_ =	shalt  }
0x54: {  	_ =	shalt  }
0x55: {  	_ =	shalt  }
0x56: {  	_ =	shalt  }
0x57: {  	_ =	shalt  }
0x58: {  	_ =	shalt  }
0x59: {  	_ =	shalt  }
0x5a: {  	_ =	shalt  }
0x5b: {  	_ =	shalt  }
0x5c: {  	_ =	shalt  }
0x5d: {  	_ =	shalt  }
0x5e: {  	_ =	shalt  }
0x5f: {  	_ =	shalt  }
0x60: {  	_ =	shalt  }
0x61: {  	_ =	shalt  }
0x62: {  	_ =	shalt  }
0x63: {  	_ =	shalt  }
0x64: {  	_ =	shalt  }
0x65: {  	_ =	shalt  }
0x66: {  	_ =	shalt  }
0x67: {  	_ =	shalt  }
0x68: {  	_ =	shalt  }
0x69: {  	_ =	shalt  }
0x6a: {  	_ =	shalt  }
0x6b: {  	_ =	shalt  }
0x6c: {  	_ =	shalt  }
0x6d: {  	_ =	shalt  }
0x6e: {  	_ =	shalt  }
0x6f: {  	_ =	shalt  }
0x70: {  	_ =	shalt  }
0x71: {  	_ =	shalt  }
0x72: {  	_ =	shalt  }
0x73: {  	_ =	shalt  }
0x74: {  	_ =	shalt  }
0x75: {  	_ =	shalt  }
0x76: {  	_ =	shalt  }
0x77: {  	_ =	shalt  }
0x78: {  	_ =	shalt  }
0x79: {  	_ =	shalt  }
0x7a: {  	_ =	shalt  }
0x7b: {  	_ =	shalt  }
0x7c: {  	_ =	shalt  }
0x7d: {  	_ =	shalt  }
0x7e: {  	_ =	shalt  }
0x7f: {  	_ =	shalt  }
0x80: {  	_ =	shalt  }
0x81: {  	_ =	shalt  }
0x82: {  	_ =	shalt  }
0x83: {  	_ =	shalt  }
0x84: {  	_ =	shalt  }
0x85: {  	_ =	shalt  }
0x86: {  	_ =	shalt  }
0x87: {  	_ =	shalt  }
.Lfunc_end0:
.L_simem_size_0:
called_computation_lowered:
.L_overlay_start_0:
0x88: {  	s2 =	sld [smem:$0x3FD9]  }
0x89: {  	s3 =	sld [smem:$0x3FFE];
	_ =	sdelay $0x1  }
0x8a: {  	s1 =	srdreg.scid  }
0x8b: {  	s0 =	sand.u32 $0x1, s1  }
0x8c: {  	s17 =	sshll.u32 s0, $0xA;
	s2 =	sadd.s32 s3, s2  }
0x8d: {  	s2 =	sadd.s32 s2, s17  }
0x8e: {  	[smem:$0x3FBD] =	sst s2  }
0x8f: {  	_ = 	snop  }
0x90: {  	s2 =	sld [smem:$0x3FC9];
	(tm) =	ssettm $0x1  }
0x91: {  	s18 =	sld [smem:$0x3FFB];
	_ =	sdelay $0x3  }
0x92: {  	_ =	strace s18  }
0x93: {  	s3 =	sld [smem:$0x3FFC];
	_ =	sdelay $0x3  }
0x94: {  	_ =	strace s3  }
0x95: {  	s3 =	sld [smem:$0x3FFD];
	_ =	sdelay $0x3  }
0x96: {  	_ =	strace s3  }
0x97: {  	_ =	strace $0x8FFFFFFF  }
0x98: {  	s19 =	sld [smem:$0x3FDB];
	_ =	sdelay $0x1  }
0x99: {  	s4 =	simm.s32 $_scs_section_size  }
0x9a: {  	s5 =	simm.s32 $_size__tile_overlayer_lowered;
	s6 =	simm.s32 $_tile_overlayer_lowered  }
0x9b: {  	s22 =	simm.s32 $0x1BFF;
	s21 =	sshll.u32 s6, $0x1;
	s3 =	sadd.s32 s4, s19  }
0x9c: {  	s7 =	simm.s32 $0x0;
	s20 =	sshll.u32 s5, $0x1;
	s5 =	sadd.s32 s21, s3  }
0x9d: {  	[timem:s7], [sflag:s22] =	dma.local [hbm:s5], s20  }
0x9e: {  	_ =	swait.ge [sflag:s22], s20  }
0x9f: {  	s4 =	ssub.s32 $0x0, s20;
	[sflag:s22] =	ssyncset.done $0x0  }
0xa0: {  	[sflag:s22] =	ssyncadd.s32 s4;
	_ =	sdelay $0x1  }
0xa1: {  	s23 =	simm.s32 $0x1B8B  }
0xa2: {  	_ =	swait.ge [sflag:s23], $0x1  }
0xa3: {  	[sflag:s23] =	ssyncset.done $0x0  }
0xa4: {  	s25 =	simm.s32 $0x1B8E;
	s24 =	sld [smem:$0x3FFE];
	[sflag:s23] =	ssyncadd.s32 $0xFFFFFFFF  }
0xa5: {  	s26 =	simm.s32 $execute0_lowered;
	[smem:$0x3FD2] =	sst s25  }
0xa6: {  	s5 =	sshll.u32 s26, $0x1;
	_ =	strace $0x80000046;
	[dreg:$0x1] =	wrdreg $0xFFFFFFFF  }
0xa7: {  	s28 =	simm.s32 $_size_execute0_lowered;
	s3 =	sadd.s32 s3, s5;
	[dreg:$0x0] =	wrdreg $0x0  }
0xa8: {  	s5 =	sshll.u32 s28, $0x1;
	[dreg:$0x2] =	wrdreg s3  }
0xa9: {  	[dreg:$0x3] =	wrdreg s5  }
0xaa: {  	[dreg:$0x4] =	wrdreg $0xC0  }
0xab: {  	_ =	task [dreg:s7], $0x5FFFF  }
0xac: {  	[dreg:$0x1] =	wrdreg $0xFFFFFFFF  }
0xad: {  	[dreg:$0x0] =	wrdreg $0x60  }
0xae: {  	[dreg:$0x2] =	wrdreg s2  }
0xaf: {  	[dreg:$0x3] =	wrdreg s24  }
0xb0: {  	[dreg:$0x4] =	wrdreg $0x90000  }
0xb1: {  	[dreg:$0x5] =	wrdreg $0x9  }
0xb2: {  	_ =	task.clear_ibuf [dreg:s7], $0x6FFFF;
	_ =	strace $0x90000046  }
0xb3: {  	s29 =	simm.s32 $0x9;
	_ =	strace $0x80000048  }
0xb4: {  	_ =	swait.ge [sflag:s29], $0x1  }
0xb5: {  	[sflag:s29] =	ssyncadd.s32 $0xFFFFFFFF  }
0xb6: {  	_ =	strace $0x90000048  }
0xb7: {  	_ =	sfence  }
0xb8: {  	s30 =	sld [smem:$0x0];
	_ =	sdelay $0x2  }
0xb9: {  	s31 =	sshll.u32 s1, $0xD;
	s1 =	sshrl.u32 s1, $0x2  }
0xba: {  	s3 =	sand.u32 $0x4000, s31;
	s1 =	sadd.s32 s1, s30  }
0xbb: {  	s0 =	sor.u32 s3, s0;
	s1 =	sshll.u32 s1, $0x11  }
0xbc: {  	s0 =	sor.u32 s1, s0  }
0xbd: {  	s0 =	sadd.s32 $0x8F2B, s0  }
0xbe: {  	[sflag:s0] =	ssyncadd.remote.s32 $0x1  }
0xbf: {  	_ =	sfence.sel $0xFFFF  }
0xc0: {  	[dreg:$0x0] =	wrdreg $0xFFFFFFFF;
	(pc) =	sbr.abs _section_cstart, $3  }
0xc1: {  	[dreg:$0x1] =	wrdreg $0xFFFFFFFF  }
0xc2: {  	_ =	task.clear_ibuf [dreg:s7], $0x2FFFF;
	_ =	strace $0x9FFFFFFF  }
0xc3: {  	(tm) =	ssettm $0x7FFFFFFF  }
tec
execute0_lowered:
.L_overlay_start_1:
0x0: {  	(tag) =	ssettag $0x1  }
0x1: {  	s1 =	rddreg [dreg:$0x0]  }
0x2: {  	s6 =	rddreg [dreg:$0x1]  }
0x3: {  	s0 =	srdreg.scid;
	s3 =	rddreg [dreg:$0x2];
	s4 =	simm.s32 $0x0  }
0x4: {  	s14 =	simm.s32 $0x80;
	s5 =	sand.u32 $0x1, s0;
	s0 =	stileid.u32  }
0x5: {  	s15 =	simm.s32 $0x5000;
	s16 =	simm.s32 $0x1;
	s8 =	smul.u32 $0x14000, s0  }
0x6: {  	s17 =	simm.s32 $0x0;
	[smem:$0x7FF] =	sst s4;
	s9 =	smul.u32 $0x140000, s5  }
0x7: {  	s2 =	sshll.u32 s5, $0x4;
	s5 =	ssub.s32 $0x2, s5;
	s29 =	smul.u32 $0x50000, s0  }
0x8: {  	s31 =	sshll.u32 s0, $0x6;
	s2 =	sor.u32 s0, s2;
	s11 =	sshrl.u32 s5, $0x1  }
0x9: {  	s7 =	smul.u32 $0x500, s2;
	s2 =	rddreg [dreg:$0x3];
	_ =	strace $0x80000047  }
0xa: {  	s28 =	sshrl.u32 s8, $0x3;
	s8 =	sadd.s32 s8, s9;
	s30 =	sshrl.u32 s29, $0x2  }
0xb: {  	s11 =	ssub.s32 s5, s11;
	s8 =	sshrl.u32 s8, $0x3;
	s13 =	sadd.s32 s30, s3  }
0xc: {  	s10 =	sadd.s32 s7, s6;
	s7 =	sadd.s32 s28, s6;
	s12 =	sadd.s32 s8, s6  }
0xd: {  	s6 =	sor.u32 $0x1C02, s31;
	s5 =	sadd.s32 $0x18C00, s7;
	s7 =	sadd.s32 $0xEC00, s10  }
0xe: {  	s8 =	sadd.s32 $0x4C00, s10;
	s9 =	sadd.s32 $0x40C00, s12;
	s10 =	smax.u32 s11, $0x1  }
0xf: {  	s11 =	sshrl.u32 s13, $0x3;
	s12 =	simm.s32 $0x2;
	s13 =	simm.s32 $0x2800  }
.LBB2_1:
0x10: {  	[spmem:s11], [sflag:s6] =	dma.local [hbm:s5], $0x2800  }
0x11: {  	_ =	swait.ge [sflag:s12], $0x2800  }
0x12: {  	[sflag:s12] =	ssyncset.done $0x0  }
0x13: {  	[sflag:s12] =	ssyncadd.s32 $0xFFFFD800  }
0x14: {  	[bflag:$0x0] =	sbarrier.arrive $0xFFFF  }
0x15: {  	[tilespmem:s4], [sflag:$0x2] =	stream.linear.gather [hbm4b:s7+s4], $0x2780, $0x38;
	[tilespmem:$0x1D000] =	vst v63  }
0x16: {  	_ =	swait.ge [sflag:s12], $0x2780  }
0x17: {  	[sflag:s12] =	ssyncset.done $0x0  }
0x18: {  	[sflag:s12] =	ssyncadd.s32 $0xFFFFD880  }
0x19: {  	[tilespmem:s13], [sflag:$0x2] =	stream.linear.gather [hbm4b:s8+s4], $0x2780, $0x38;
	[tilespmem:$0x1D000] =	vst v63  }
0x1a: {  	_ =	swait.ge [sflag:s12], $0x2780  }
0x1b: {  	[sflag:s12] =	ssyncset.done $0x0  }
0x1c: {  	s18 =	simm.s32 $0x0;
	[sflag:s12] =	ssyncadd.s32 $0xFFFFD880  }
0x1d: {  	[tilespmem:s15], [sflag:$0x1] =	stream.indirect.gather [hbm4b:s1+s14], $0x80, s18, s14, $0xb8;
	[tilespmem:$0x1D000] =	vst v63  }
0x1e: {  	_ =	swait.ge [sflag:s16], $0x4000  }
0x1f: {  	[sflag:s16] =	ssyncset.done $0x0  }
0x20: {  	s31 =	simm.s32 $0x2800;
	[sflag:s16] =	ssyncadd.s32 $0xFFFFC000  }
0x21: {  	[spmem:s3] =	stream.indirect.scatter.add.f32 [tilespmem:s15], [sflag:$0x2], $0x80, s31, s14, $0xb8;
	[tilespmem:$0x1D000] =	vst v63  }
0x22: {  	_ =	swait.ge [sflag:s12], $0x4000  }
0x23: {  	s19 =	simm.s32 $0x400;
	s18 =	simm.s32 $0x200;
	[sflag:s12] =	ssyncset.done $0x0  }
.LBB2_2:
0x24: {  	s20 =	sshra.s32 s18, $0x2  }
0x25: {  	[sflag:s12] =	ssyncadd.s32 $0xFFFFC000;
	s18 =	smov.u32 s19;
	s21 =	sadd.s32 $0x200, s19  }
0x26: {  	[tilespmem:s15], [sflag:$0x1] =	stream.indirect.gather [hbm4b:s1+s14], $0x80, s20, s14, $0xb8;
	[tilespmem:$0x1D000] =	vst v63  }
0x27: {  	p0 =	sne.s32 s19, $0x9C00;
	_ =	swait.ge [sflag:s16], $0x4000  }
.Ltmp0:
0x28: {  	[sflag:s16] =	ssyncset.done $0x0;
	(pc) =	sbr.rel @p0 .LBB2_2-.Ltmp0, $4  }
0x29: {  	s19 =	sadd.s32 $0x2800, s20;
	[sflag:s16] =	ssyncadd.s32 $0xFFFFC000  }
0x2a: {  	[spmem:s3] =	stream.indirect.scatter.add.f32 [tilespmem:s15], [sflag:$0x2], $0x80, s19, s14, $0xb8;
	[tilespmem:$0x1D000] =	vst v63  }
0x2b: {  	_ =	swait.ge [sflag:s12], $0x4000  }
0x2c: {  	s19 =	smov.u32 s21;
	[sflag:s12] =	ssyncset.done $0x0  }
0x2d: {  	s18 =	sshra.s32 s18, $0x2;
	[sflag:s12] =	ssyncadd.s32 $0xFFFFC000  }
0x2e: {  	[tilespmem:s15], [sflag:$0x1] =	stream.indirect.gather [hbm4b:s1+s14], $0x80, s18, s14, $0xb8;
	[tilespmem:$0x1D000] =	vst v63  }
0x2f: {  	_ =	swait.ge [sflag:s16], $0x4000  }
0x30: {  	[sflag:s16] =	ssyncset.done $0x0  }
0x31: {  	s18 =	sadd.s32 $0x2800, s18;
	[sflag:s16] =	ssyncadd.s32 $0xFFFFC000  }
0x32: {  	[spmem:s3] =	stream.indirect.scatter.add.f32 [tilespmem:s15], [sflag:$0x2], $0x80, s18, s14, $0xb8;
	[tilespmem:$0x1D000] =	vst v63  }
0x33: {  	_ =	swait.ge [sflag:s12], $0x4000  }
0x34: {  	s17 =	sadd.s32 $0x1, s17;
	[sflag:s12] =	ssyncset.done $0x0  }
0x35: {  	p0 =	sne.s32 s17, s10;
	[sflag:s12] =	ssyncadd.s32 $0xFFFFC000  }
.Ltmp1:
0x36: {  	[bflag:$0x0] =	sbarrier.arrive $0xFFFF;
	(pc) =	sbr.rel @p0 .LBB2_1-.Ltmp1, $4  }
0x37: {  	[hbm:s9], [sflag:s6] =	dma.local [spmem:s11], $0x2800  }
0x38: {  	_ =	swait.ge [sflag:s12], $0x2800  }
0x39: {  	[sflag:s12] =	ssyncset.done $0x0  }
0x3a: {  	[sflag:s12] =	ssyncadd.s32 $0xFFFFD800  }
0x3b: {  	_ =	sfence.sel $0x180000  }
0x3c: {  	[bflag:$0x0] =	sbarrier.arrive $0xFFFF  }
0x3d: {  	p0 =	sne.s32 s0, $0x0;
	_ =	strace $0x90000047  }
0x3e: {  	s0 =	sadd.s32 @!p0 $0x100000, s2;
	[bflag:$0x2] =	sbarrier.arrive $0xFFFF  }
0x3f: {  	[sflag:s0] =	ssyncadd.tile.s32 @!p0 $0x1;
	_ =	shalt  }
.Lfunc_end2:
_tile_overlayer_lowered:
.L_overlay_start_2:
0x40: {  	(tag) =	ssettag $0x2  }
0x41: {  	s0 =	rddreg [dreg:$0x0];
	s2 =	stileid.u32  }
0x42: {  	s1 =	rddreg [dreg:$0x1];
	p0 =	sne.s32 s2, $0x0  }
0x43: {  	s3 =	rddreg [dreg:$0x2];
	[bflag:$0x3] =	sbarrier.arrive $0xFFFF;
	s2 =	simm.s32 @!p0 $0x1C02  }
0x44: {  	[timem:s3], [sflag:s2] =	dma.local @!p0 [hbm:s0], s1  }
0x45: {  	s0 =	simm.s32 @!p0 $0x2  }
0x46: {  	_ =	swait.ge @!p0 [sflag:s0], s1  }
0x47: {  	s1 =	ssub.s32 @!p0 $0x0, s1;
	[sflag:s0] =	ssyncset.done @!p0 $0x0  }
0x48: {  	[sflag:s0] =	ssyncadd.s32 @!p0 s1  }
0x49: {  	[bflag:$0x3] =	sbarrier.arrive $0xFFFF  }
0x4a: {  	_ =	shalt  }

// kernel: kernel.15.cloned.1.call-start
scs
__scs_entry_jumppad:
0x0: {  	(pc) =	sbr.rel $0x88, $3  }
0x1: {  	(tag) =	ssettag $0x0;
	lr =	simm.s32 $0x1  }
0x2: {  	[smem:$0x3F96] =	sst lr;
	_ =	strace $0xD0000000  }
0x3: {  	_ = 	snop  }
0x4: {  	_ = 	snop  }
0x5: {  	_ = 	snop  }
0x6: {  	_ = 	snop  }
0x7: {  	_ = 	snop  }
__scs_overlays_trampoline_lowered:
0x8: {  	[smem:$0x3FA5] =	sst s0  }
0x9: {  	[smem:$0x3FA6] =	sst s1  }
0xa: {  	[smem:$0x3FA7] =	sst s2  }
0xb: {  	[smem:$0x3FA8] =	sst s3  }
0xc: {  	[smem:$0x3FA9] =	sst s4  }
0xd: {  	[smem:$0x3FAA] =	sst s5  }
0xe: {  	[smem:$0x3FAB] =	sst s6  }
0xf: {  	[smem:$0x3FAC] =	sst s7  }
0x10: {  	[smem:$0x3FAD] =	sst s8  }
0x11: {  	[smem:$0x3FAE] =	sst s9;
	s0 =	simm.s32 @!p0 $0x0  }
0x12: {  	s1 =	sld [smem:$0x3F94];
	s0 =	simm.s32 @p0 $0x1  }
0x13: {  	[smem:$0x3FAF] =	sst s0;
	s0 =	simm.s32 @!p1 $0x0  }
0x14: {  	s2 =	sld [smem:$0x3F93];
	s0 =	simm.s32 @p1 $0x1  }
0x15: {  	[smem:$0x3FB0] =	sst s0;
	s0 =	simm.s32 @!p2 $0x0  }
0x16: {  	s3 =	sld [smem:$0x3FDB];
	s0 =	simm.s32 @p2 $0x1  }
0x17: {  	s4 =	simm.s32 $0x1BF5;
	[smem:$0x3FB2] =	sst s0  }
0x18: {  	s0 =	sld [smem:$0x3F95];
	_ =	swait.ge [sflag:s4], $0x0  }
0x19: {  	s7 =	sld [smem:$0x3F96]  }
0x1a: {  	s8 =	sadd.s32 $0xFFFFE003, lr  }
0x1b: {  	s9 =	sadd.s32 $0xFFFFFEF7, lr;
	s5 =	simm.s32 $0xFFFFFFFF;
	p2 =	slt.u32 s8, $0xFFFFF086  }
0x1c: {  	p1 =	slt.u32 s9, $0xF7A;
	s5 =	simm.s32 @!p2 $0x0  }
0x1d: {  	s5 =	simm.s32 @p1 $0x1;
	p0 =	seq.s32 s7, s2  }
0x1e: {  	s7 =	smul.u32 @!p0 $0xF7A, s2;
	p2 =	seq.s32 @!p0 s5, $0x0  }
0x1f: {  	s9 =	smul.u32 $0xF7A, s1;
	s8 =	simm.s32 @!p0 $0x1BF5;
	p2 =	por !p2, p0  }
0x20: {  	[sflag:s8] =	ssyncset.s32 @!p0 $0xFFFFF086;
	s6 =	sadd.s32 @!p0 s3, s7;
	s7 =	simm.s32 @!p0 $0x108  }
0x21: {  	s3 =	sadd.s32 s3, s9;
	s6 =	sadd.s32 @!p0 $0x88, s6;
	s7 =	simm.s32 @p2 $0x1082  }
0x22: {  	[simem:s7], [sflag:s8] =	dma.local @!p0 [hbm:s6], $0xF7A  }
0x23: {  	s9 =	sor.u32 $0xD0000000, s2;
	s6 =	simm.s32 $0x108;
	_ =	swait.ge @!p0 [sflag:s8], $0x0  }
0x24: {  	s3 =	sadd.s32 $0x88, s3;
	s6 =	simm.s32 @!p1 $0x1082;
	[sflag:s4] =	ssyncset.s32 $0xFFFFF086  }
0x25: {  	[simem:s6], [sflag:s4] =	dma.local [hbm:s3], $0xF7A  }
0x26: {  	[smem:$0x3F96] =	sst s1;
	(tag) =	ssettag s2;
	_ =	strace s9  }
0x27: {  	s1 =	sld [smem:$0x3FA6]  }
0x28: {  	s2 =	sld [smem:$0x3FA7]  }
0x29: {  	s4 =	sld [smem:$0x3FA9]  }
0x2a: {  	p0 =	seq.s32 s5, $0x0;
	s5 =	sld [smem:$0x3FAA]  }
0x2b: {  	s6 =	sld [smem:$0x3FAB]  }
0x2c: {  	s7 =	sld [smem:$0x3FAC]  }
0x2d: {  	s3 =	simm.s32 $0x108;
	s8 =	sld [smem:$0x3FAD]  }
0x2e: {  	s3 =	simm.s32 @!p0 $0x1082;
	s9 =	sld [smem:$0x3FAE]  }
0x2f: {  	lr =	sadd.s32 s0, s3;
	s0 =	sld [smem:$0x3FA5]  }
0x30: {  	s3 =	sld [smem:$0x3FA8]  }
0x31: {  	[smem:$0x3FB1] =	sst s10  }
0x32: {  	s10 =	sld [smem:$0x3FAF];
	_ =	sdelay $0x3  }
0x33: {  	p0 =	seq.s32 s10, $0x1;
	s10 =	sld [smem:$0x3FB1];
	_ =	sdelay $0x3  }
0x34: {  	[smem:$0x3FB1] =	sst s10  }
0x35: {  	s10 =	sld [smem:$0x3FB0];
	_ =	sdelay $0x3  }
0x36: {  	p1 =	seq.s32 s10, $0x1;
	s10 =	sld [smem:$0x3FB1];
	_ =	sdelay $0x3  }
0x37: {  	[smem:$0x3FB1] =	sst s10  }
0x38: {  	s10 =	sld [smem:$0x3FB2]  }
0x39: {  	_ = 	snop;
	(pc) =	sbr.ind lr, $3  }
0x3a: {  	_ = 	snop  }
0x3b: {  	_ = 	snop  }
0x3c: {  	p2 =	seq.s32 s10, $0x1;
	s10 =	sld [smem:$0x3FB1]  }
0x3d: {  	_ =	shalt  }
0x3e: {  	_ =	shalt  }
0x3f: {  	_ =	shalt  }
0x40: {  	_ =	shalt  }
0x41: {  	_ =	shalt  }
0x42: {  	_ =	shalt  }
0x43: {  	_ =	shalt  }
0x44: {  	_ =	shalt  }
0x45: {  	_ =	shalt  }
0x46: {  	_ =	shalt  }
0x47: {  	_ =	shalt  }
0x48: {  	_ =	shalt  }
0x49: {  	_ =	shalt  }
0x4a: {  	_ =	shalt  }
0x4b: {  	_ =	shalt  }
0x4c: {  	_ =	shalt  }
0x4d: {  	_ =	shalt  }
0x4e: {  	_ =	shalt  }
0x4f: {  	_ =	shalt  }
0x50: {  	_ =	shalt  }
0x51: {  	_ =	shalt  }
0x52: {  	_ =	shalt  }
0x53: {  	_ =	shalt  }
0x54: {  	_ =	shalt  }
0x55: {  	_ =	shalt  }
0x56: {  	_ =	shalt  }
0x57: {  	_ =	shalt  }
0x58: {  	_ =	shalt  }
0x59: {  	_ =	shalt  }
0x5a: {  	_ =	shalt  }
0x5b: {  	_ =	shalt  }
0x5c: {  	_ =	shalt  }
0x5d: {  	_ =	shalt  }
0x5e: {  	_ =	shalt  }
0x5f: {  	_ =	shalt  }
0x60: {  	_ =	shalt  }
0x61: {  	_ =	shalt  }
0x62: {  	_ =	shalt  }
0x63: {  	_ =	shalt  }
0x64: {  	_ =	shalt  }
0x65: {  	_ =	shalt  }
0x66: {  	_ =	shalt  }
0x67: {  	_ =	shalt  }
0x68: {  	_ =	shalt  }
0x69: {  	_ =	shalt  }
0x6a: {  	_ =	shalt  }
0x6b: {  	_ =	shalt  }
0x6c: {  	_ =	shalt  }
0x6d: {  	_ =	shalt  }
0x6e: {  	_ =	shalt  }
0x6f: {  	_ =	shalt  }
0x70: {  	_ =	shalt  }
0x71: {  	_ =	shalt  }
0x72: {  	_ =	shalt  }
0x73: {  	_ =	shalt  }
0x74: {  	_ =	shalt  }
0x75: {  	_ =	shalt  }
0x76: {  	_ =	shalt  }
0x77: {  	_ =	shalt  }
0x78: {  	_ =	shalt  }
0x79: {  	_ =	shalt  }
0x7a: {  	_ =	shalt  }
0x7b: {  	_ =	shalt  }
0x7c: {  	_ =	shalt  }
0x7d: {  	_ =	shalt  }
0x7e: {  	_ =	shalt  }
0x7f: {  	_ =	shalt  }
0x80: {  	_ =	shalt  }
0x81: {  	_ =	shalt  }
0x82: {  	_ =	shalt  }
0x83: {  	_ =	shalt  }
0x84: {  	_ =	shalt  }
0x85: {  	_ =	shalt  }
0x86: {  	_ =	shalt  }
0x87: {  	_ =	shalt  }
.Lfunc_end0:
.L_simem_size_0:
called_computation.1_lowered:
.L_overlay_start_0:
0x88: {  	s2 =	sld [smem:$0x3FD9]  }
0x89: {  	s3 =	sld [smem:$0x3FFE];
	_ =	sdelay $0x1  }
0x8a: {  	s1 =	srdreg.scid  }
0x8b: {  	s0 =	sand.u32 $0x1, s1  }
0x8c: {  	s16 =	sshll.u32 s0, $0xA;
	s2 =	sadd.s32 s3, s2  }
0x8d: {  	s2 =	sadd.s32 s2, s16  }
0x8e: {  	[smem:$0x3FBD] =	sst s2  }
0x8f: {  	_ = 	snop  }
0x90: {  	(tm) =	ssettm $0x1  }
0x91: {  	s17 =	sld [smem:$0x3FFB];
	_ =	sdelay $0x3  }
0x92: {  	_ =	strace s17  }
0x93: {  	s2 =	sld [smem:$0x3FFC];
	_ =	sdelay $0x3  }
0x94: {  	_ =	strace s2  }
0x95: {  	s2 =	sld [smem:$0x3FFD];
	_ =	sdelay $0x3  }
0x96: {  	_ =	strace s2  }
0x97: {  	_ =	strace $0x8FFFFFFF  }
0x98: {  	s18 =	sld [smem:$0x3FDB];
	_ =	sdelay $0x1  }
0x99: {  	s19 =	simm.s32 $_scs_section_size  }
0x9a: {  	s4 =	simm.s32 $_size__tile_overlayer_lowered;
	s5 =	simm.s32 $_tile_overlayer_lowered  }
0x9b: {  	s22 =	simm.s32 $0x1BFF;
	s21 =	sshll.u32 s5, $0x1;
	s2 =	sadd.s32 s19, s18  }
0x9c: {  	s6 =	simm.s32 $0x0;
	s20 =	sshll.u32 s4, $0x1;
	s4 =	sadd.s32 s21, s2  }
0x9d: {  	[timem:s6], [sflag:s22] =	dma.local [hbm:s4], s20  }
0x9e: {  	_ =	swait.ge [sflag:s22], s20  }
0x9f: {  	s3 =	ssub.s32 $0x0, s20;
	[sflag:s22] =	ssyncset.done $0x0  }
0xa0: {  	[sflag:s22] =	ssyncadd.s32 s3;
	_ =	sdelay $0x1  }
0xa1: {  	s23 =	simm.s32 $0x1B8B  }
0xa2: {  	_ =	swait.ge [sflag:s23], $0x1  }
0xa3: {  	[sflag:s23] =	ssyncset.done $0x0  }
0xa4: {  	s25 =	simm.s32 $0x1B8E;
	s24 =	sld [smem:$0x3FFE];
	[sflag:s23] =	ssyncadd.s32 $0xFFFFFFFF  }
0xa5: {  	s26 =	simm.s32 $execute0_lowered;
	[smem:$0x3FD2] =	sst s25  }
0xa6: {  	s4 =	sshll.u32 s26, $0x1;
	_ =	strace $0x80000049;
	[dreg:$0x1] =	wrdreg $0xFFFFFFFF  }
0xa7: {  	s28 =	simm.s32 $_size_execute0_lowered;
	s2 =	sadd.s32 s2, s4;
	[dreg:$0x0] =	wrdreg $0x0  }
0xa8: {  	s4 =	sshll.u32 s28, $0x1;
	[dreg:$0x2] =	wrdreg s2  }
0xa9: {  	[dreg:$0x3] =	wrdreg s4  }
0xaa: {  	[dreg:$0x4] =	wrdreg $0xC0  }
0xab: {  	_ =	task [dreg:s6], $0x5FFFF  }
0xac: {  	[dreg:$0x1] =	wrdreg $0xFFFFFFFF  }
0xad: {  	[dreg:$0x0] =	wrdreg $0x60  }
0xae: {  	[dreg:$0x2] =	wrdreg s24  }
0xaf: {  	[dreg:$0x3] =	wrdreg $0x90000  }
0xb0: {  	[dreg:$0x4] =	wrdreg $0x9  }
0xb1: {  	_ =	task.clear_ibuf [dreg:s6], $0x5FFFF;
	_ =	strace $0x90000049  }
0xb2: {  	s29 =	simm.s32 $0x9;
	_ =	strace $0x8000004B  }
0xb3: {  	_ =	swait.ge [sflag:s29], $0x1  }
0xb4: {  	[sflag:s29] =	ssyncadd.s32 $0xFFFFFFFF  }
0xb5: {  	_ =	strace $0x9000004B  }
0xb6: {  	_ =	sfence  }
0xb7: {  	s30 =	sld [smem:$0x0];
	_ =	sdelay $0x2  }
0xb8: {  	s31 =	sshll.u32 s1, $0xD;
	s1 =	sshrl.u32 s1, $0x2  }
0xb9: {  	s3 =	sand.u32 $0x4000, s31;
	s1 =	sadd.s32 s1, s30  }
0xba: {  	s0 =	sor.u32 s3, s0;
	s1 =	sshll.u32 s1, $0x11  }
0xbb: {  	s0 =	sor.u32 s1, s0  }
0xbc: {  	s0 =	sadd.s32 $0x8F2B, s0  }
0xbd: {  	[sflag:s0] =	ssyncadd.remote.s32 $0x1  }
0xbe: {  	_ =	sfence.sel $0xFFFF  }
0xbf: {  	[dreg:$0x0] =	wrdreg $0xFFFFFFFF;
	(pc) =	sbr.abs _section_cstart, $3  }
0xc0: {  	[dreg:$0x1] =	wrdreg $0xFFFFFFFF  }
0xc1: {  	_ =	task.clear_ibuf [dreg:s6], $0x2FFFF;
	_ =	strace $0x9FFFFFFF  }
0xc2: {  	(tm) =	ssettm $0x7FFFFFFF  }
0xc3: {  	_ =	shalt  }
tec
execute0_lowered:
.L_overlay_start_1:
0x0: {  	(tag) =	ssettag $0x1  }
0x1: {  	s0 =	srdreg.scid;
	s6 =	rddreg [dreg:$0x0]  }
0x2: {  	s2 =	rddreg [dreg:$0x1];
	s3 =	simm.s32 $0x0;
	s14 =	simm.s32 $0x80  }
0x3: {  	s15 =	simm.s32 $0x5000;
	s5 =	sand.u32 $0x1, s0;
	s0 =	stileid.u32  }
0x4: {  	s16 =	simm.s32 $0x1;
	s17 =	simm.s32 $0x0;
	s8 =	smul.u32 $0x14000, s0  }
0x5: {  	[smem:$0x7FF] =	sst s3;
	s1 =	sshll.u32 s5, $0x4;
	s9 =	smul.u32 $0x140000, s5  }
0x6: {  	s5 =	ssub.s32 $0x2, s5;
	s29 =	smul.u32 $0x50000, s0;
	s31 =	sshll.u32 s0, $0x6  }
0x7: {  	s4 =	sor.u32 s0, s1;
	s1 =	rddreg [dreg:$0x2];
	_ =	strace $0x8000004A  }
0x8: {  	s11 =	sshrl.u32 s5, $0x1;
	s7 =	smul.u32 $0x500, s4;
	s4 =	sadd.s32 $0x40C00, s6  }
0x9: {  	s28 =	sshrl.u32 s8, $0x3;
	s8 =	sadd.s32 s8, s9;
	s30 =	sshrl.u32 s29, $0x2  }
0xa: {  	s11 =	ssub.s32 s5, s11;
	s8 =	sshrl.u32 s8, $0x3;
	s13 =	sadd.s32 s30, s2  }
0xb: {  	s10 =	sadd.s32 s7, s6;
	s7 =	sadd.s32 s28, s6;
	s12 =	sadd.s32 s8, s6  }
0xc: {  	s6 =	sor.u32 $0x1C02, s31;
	s5 =	sadd.s32 $0x18C00, s7;
	s7 =	sadd.s32 $0xEC00, s10  }
0xd: {  	s8 =	sadd.s32 $0x4C00, s10;
	s9 =	sadd.s32 $0x91400, s12;
	s10 =	smax.u32 s11, $0x1  }
0xe: {  	s11 =	sshrl.u32 s13, $0x3;
	s12 =	simm.s32 $0x2;
	s13 =	simm.s32 $0x2800  }
.LBB2_1:
0xf: {  	[spmem:s11], [sflag:s6] =	dma.local [hbm:s5], $0x2800  }
0x10: {  	_ =	swait.ge [sflag:s12], $0x2800  }
0x11: {  	[sflag:s12] =	ssyncset.done $0x0  }
0x12: {  	[sflag:s12] =	ssyncadd.s32 $0xFFFFD800  }
0x13: {  	[bflag:$0x0] =	sbarrier.arrive $0xFFFF  }
0x14: {  	[tilespmem:s3], [sflag:$0x2] =	stream.linear.gather [hbm4b:s7+s3], $0x2780, $0x38;
	[tilespmem:$0x1D000] =	vst v63  }
0x15: {  	_ =	swait.ge [sflag:s12], $0x2780  }
0x16: {  	[sflag:s12] =	ssyncset.done $0x0  }
0x17: {  	[sflag:s12] =	ssyncadd.s32 $0xFFFFD880  }
0x18: {  	[tilespmem:s13], [sflag:$0x2] =	stream.linear.gather [hbm4b:s8+s3], $0x2780, $0x38;
	[tilespmem:$0x1D000] =	vst v63  }
0x19: {  	_ =	swait.ge [sflag:s12], $0x2780  }
0x1a: {  	[sflag:s12] =	ssyncset.done $0x0  }
0x1b: {  	s18 =	simm.s32 $0x0;
	[sflag:s12] =	ssyncadd.s32 $0xFFFFD880  }
0x1c: {  	[tilespmem:s15], [sflag:$0x1] =	stream.indirect.gather [hbm4b:s4+s14], $0x80, s18, s14, $0xb8;
	[tilespmem:$0x1D000] =	vst v63  }
0x1d: {  	_ =	swait.ge [sflag:s16], $0x4000  }
0x1e: {  	[sflag:s16] =	ssyncset.done $0x0  }
0x1f: {  	s31 =	simm.s32 $0x2800;
	[sflag:s16] =	ssyncadd.s32 $0xFFFFC000  }
0x20: {  	[spmem:s2] =	stream.indirect.scatter.add.f32 [tilespmem:s15], [sflag:$0x2], $0x80, s31, s14, $0xb8;
	[tilespmem:$0x1D000] =	vst v63  }
0x21: {  	_ =	swait.ge [sflag:s12], $0x4000  }
0x22: {  	s19 =	simm.s32 $0x400;
	s18 =	simm.s32 $0x200;
	[sflag:s12] =	ssyncset.done $0x0  }
.LBB2_2:
0x23: {  	s20 =	sshra.s32 s18, $0x2  }
0x24: {  	[sflag:s12] =	ssyncadd.s32 $0xFFFFC000;
	s18 =	smov.u32 s19;
	s21 =	sadd.s32 $0x200, s19  }
0x25: {  	[tilespmem:s15], [sflag:$0x1] =	stream.indirect.gather [hbm4b:s4+s14], $0x80, s20, s14, $0xb8;
	[tilespmem:$0x1D000] =	vst v63  }
0x26: {  	p0 =	sne.s32 s19, $0x9C00;
	_ =	swait.ge [sflag:s16], $0x4000  }
.Ltmp0:
0x27: {  	[sflag:s16] =	ssyncset.done $0x0;
	(pc) =	sbr.rel @p0 .LBB2_2-.Ltmp0, $4  }
0x28: {  	s19 =	sadd.s32 $0x2800, s20;
	[sflag:s16] =	ssyncadd.s32 $0xFFFFC000  }
0x29: {  	[spmem:s2] =	stream.indirect.scatter.add.f32 [tilespmem:s15], [sflag:$0x2], $0x80, s19, s14, $0xb8;
	[tilespmem:$0x1D000] =	vst v63  }
0x2a: {  	_ =	swait.ge [sflag:s12], $0x4000  }
0x2b: {  	s19 =	smov.u32 s21;
	[sflag:s12] =	ssyncset.done $0x0  }
0x2c: {  	s18 =	sshra.s32 s18, $0x2;
	[sflag:s12] =	ssyncadd.s32 $0xFFFFC000  }
0x2d: {  	[tilespmem:s15], [sflag:$0x1] =	stream.indirect.gather [hbm4b:s4+s14], $0x80, s18, s14, $0xb8;
	[tilespmem:$0x1D000] =	vst v63  }
0x2e: {  	_ =	swait.ge [sflag:s16], $0x4000  }
0x2f: {  	[sflag:s16] =	ssyncset.done $0x0  }
0x30: {  	s18 =	sadd.s32 $0x2800, s18;
	[sflag:s16] =	ssyncadd.s32 $0xFFFFC000  }
0x31: {  	[spmem:s2] =	stream.indirect.scatter.add.f32 [tilespmem:s15], [sflag:$0x2], $0x80, s18, s14, $0xb8;
	[tilespmem:$0x1D000] =	vst v63  }
0x32: {  	_ =	swait.ge [sflag:s12], $0x4000  }
0x33: {  	s17 =	sadd.s32 $0x1, s17;
	[sflag:s12] =	ssyncset.done $0x0  }
0x34: {  	p0 =	sne.s32 s17, s10;
	[sflag:s12] =	ssyncadd.s32 $0xFFFFC000  }
.Ltmp1:
0x35: {  	[bflag:$0x0] =	sbarrier.arrive $0xFFFF;
	(pc) =	sbr.rel @p0 .LBB2_1-.Ltmp1, $4  }
0x36: {  	[hbm:s9], [sflag:s6] =	dma.local [spmem:s11], $0x2800  }
0x37: {  	_ =	swait.ge [sflag:s12], $0x2800  }
0x38: {  	[sflag:s12] =	ssyncset.done $0x0  }
0x39: {  	[sflag:s12] =	ssyncadd.s32 $0xFFFFD800  }
0x3a: {  	_ =	sfence.sel $0x180000  }
0x3b: {  	[bflag:$0x0] =	sbarrier.arrive $0xFFFF  }
0x3c: {  	p0 =	sne.s32 s0, $0x0;
	_ =	strace $0x9000004A  }
0x3d: {  	s0 =	sadd.s32 @!p0 $0x100000, s1;
	[bflag:$0x2] =	sbarrier.arrive $0xFFFF  }
0x3e: {  	[sflag:s0] =	ssyncadd.tile.s32 @!p0 $0x1;
	_ =	shalt  }
.Lfunc_end2:
_tile_overlayer_lowered:
.L_overlay_start_2:
0x3f: {  	(tag) =	ssettag $0x2  }
0x40: {  	s0 =	rddreg [dreg:$0x0];
	s2 =	stileid.u32  }
0x41: {  	s1 =	rddreg [dreg:$0x1];
	p0 =	sne.s32 s2, $0x0  }
0x42: {  	s3 =	rddreg [dreg:$0x2];
	[bflag:$0x3] =	sbarrier.arrive $0xFFFF;
	s2 =	simm.s32 @!p0 $0x1C02  }
0x43: {  	[timem:s3], [sflag:s2] =	dma.local @!p0 [hbm:s0], s1  }
0x44: {  	s0 =	simm.s32 @!p0 $0x2  }
0x45: {  	_ =	swait.ge @!p0 [sflag:s0], s1  }
0x46: {  	s1 =	ssub.s32 @!p0 $0x0, s1;
	[sflag:s0] =	ssyncset.done @!p0 $0x0  }
0x47: {  	[sflag:s0] =	ssyncadd.s32 @!p0 s1  }
0x48: {  	[bflag:$0x3] =	sbarrier.arrive $0xFFFF  }
0x49: {  	_ =	shalt  }

// kernel: kernel.18.cloned.1.call-start
scs
__scs_entry_jumppad:
0x0: {  	(pc) =	sbr.rel $0x88, $3  }
0x1: {  	(tag) =	ssettag $0x0;
	lr =	simm.s32 $0x1  }
0x2: {  	[smem:$0x3F96] =	sst lr;
	_ =	strace $0xD0000000  }
0x3: {  	_ = 	snop  }
0x4: {  	_ = 	snop  }
0x5: {  	_ = 	snop  }
0x6: {  	_ = 	snop  }
0x7: {  	_ = 	snop  }
__scs_overlays_trampoline_lowered:
0x8: {  	[smem:$0x3FA5] =	sst s0  }
0x9: {  	[smem:$0x3FA6] =	sst s1  }
0xa: {  	[smem:$0x3FA7] =	sst s2  }
0xb: {  	[smem:$0x3FA8] =	sst s3  }
0xc: {  	[smem:$0x3FA9] =	sst s4  }
0xd: {  	[smem:$0x3FAA] =	sst s5  }
0xe: {  	[smem:$0x3FAB] =	sst s6  }
0xf: {  	[smem:$0x3FAC] =	sst s7  }
0x10: {  	[smem:$0x3FAD] =	sst s8  }
0x11: {  	[smem:$0x3FAE] =	sst s9;
	s0 =	simm.s32 @!p0 $0x0  }
0x12: {  	s1 =	sld [smem:$0x3F94];
	s0 =	simm.s32 @p0 $0x1  }
0x13: {  	[smem:$0x3FAF] =	sst s0;
	s0 =	simm.s32 @!p1 $0x0  }
0x14: {  	s2 =	sld [smem:$0x3F93];
	s0 =	simm.s32 @p1 $0x1  }
0x15: {  	[smem:$0x3FB0] =	sst s0;
	s0 =	simm.s32 @!p2 $0x0  }
0x16: {  	s3 =	sld [smem:$0x3FDB];
	s0 =	simm.s32 @p2 $0x1  }
0x17: {  	s4 =	simm.s32 $0x1BF5;
	[smem:$0x3FB2] =	sst s0  }
0x18: {  	s0 =	sld [smem:$0x3F95];
	_ =	swait.ge [sflag:s4], $0x0  }
0x19: {  	s7 =	sld [smem:$0x3F96]  }
0x1a: {  	s8 =	sadd.s32 $0xFFFFE003, lr  }
0x1b: {  	s9 =	sadd.s32 $0xFFFFFEF7, lr;
	s5 =	simm.s32 $0xFFFFFFFF;
	p2 =	slt.u32 s8, $0xFFFFF086  }
0x1c: {  	p1 =	slt.u32 s9, $0xF7A;
	s5 =	simm.s32 @!p2 $0x0  }
0x1d: {  	s5 =	simm.s32 @p1 $0x1;
	p0 =	seq.s32 s7, s2  }
0x1e: {  	s7 =	smul.u32 @!p0 $0xF7A, s2;
	p2 =	seq.s32 @!p0 s5, $0x0  }
0x1f: {  	s9 =	smul.u32 $0xF7A, s1;
	s8 =	simm.s32 @!p0 $0x1BF5;
	p2 =	por !p2, p0  }
0x20: {  	[sflag:s8] =	ssyncset.s32 @!p0 $0xFFFFF086;
	s6 =	sadd.s32 @!p0 s3, s7;
	s7 =	simm.s32 @!p0 $0x108  }
0x21: {  	s3 =	sadd.s32 s3, s9;
	s6 =	sadd.s32 @!p0 $0x88, s6;
	s7 =	simm.s32 @p2 $0x1082  }
0x22: {  	[simem:s7], [sflag:s8] =	dma.local @!p0 [hbm:s6], $0xF7A  }
0x23: {  	s9 =	sor.u32 $0xD0000000, s2;
	s6 =	simm.s32 $0x108;
	_ =	swait.ge @!p0 [sflag:s8], $0x0  }
0x24: {  	s3 =	sadd.s32 $0x88, s3;
	s6 =	simm.s32 @!p1 $0x1082;
	[sflag:s4] =	ssyncset.s32 $0xFFFFF086  }
0x25: {  	[simem:s6], [sflag:s4] =	dma.local [hbm:s3], $0xF7A  }
0x26: {  	[smem:$0x3F96] =	sst s1;
	(tag) =	ssettag s2;
	_ =	strace s9  }
0x27: {  	s1 =	sld [smem:$0x3FA6]  }
0x28: {  	s2 =	sld [smem:$0x3FA7]  }
0x29: {  	s4 =	sld [smem:$0x3FA9]  }
0x2a: {  	p0 =	seq.s32 s5, $0x0;
	s5 =	sld [smem:$0x3FAA]  }
0x2b: {  	s6 =	sld [smem:$0x3FAB]  }
0x2c: {  	s7 =	sld [smem:$0x3FAC]  }
0x2d: {  	s3 =	simm.s32 $0x108;
	s8 =	sld [smem:$0x3FAD]  }
0x2e: {  	s3 =	simm.s32 @!p0 $0x1082;
	s9 =	sld [smem:$0x3FAE]  }
0x2f: {  	lr =	sadd.s32 s0, s3;
	s0 =	sld [smem:$0x3FA5]  }
0x30: {  	s3 =	sld [smem:$0x3FA8]  }
0x31: {  	[smem:$0x3FB1] =	sst s10  }
0x32: {  	s10 =	sld [smem:$0x3FAF];
	_ =	sdelay $0x3  }
0x33: {  	p0 =	seq.s32 s10, $0x1;
	s10 =	sld [smem:$0x3FB1];
	_ =	sdelay $0x3  }
0x34: {  	[smem:$0x3FB1] =	sst s10  }
0x35: {  	s10 =	sld [smem:$0x3FB0];
	_ =	sdelay $0x3  }
0x36: {  	p1 =	seq.s32 s10, $0x1;
	s10 =	sld [smem:$0x3FB1];
	_ =	sdelay $0x3  }
0x37: {  	[smem:$0x3FB1] =	sst s10  }
0x38: {  	s10 =	sld [smem:$0x3FB2]  }
0x39: {  	_ = 	snop;
	(pc) =	sbr.ind lr, $3  }
0x3a: {  	_ = 	snop  }
0x3b: {  	_ = 	snop  }
0x3c: {  	p2 =	seq.s32 s10, $0x1;
	s10 =	sld [smem:$0x3FB1]  }
0x3d: {  	_ =	shalt  }
0x3e: {  	_ =	shalt  }
0x3f: {  	_ =	shalt  }
0x40: {  	_ =	shalt  }
0x41: {  	_ =	shalt  }
0x42: {  	_ =	shalt  }
0x43: {  	_ =	shalt  }
0x44: {  	_ =	shalt  }
0x45: {  	_ =	shalt  }
0x46: {  	_ =	shalt  }
0x47: {  	_ =	shalt  }
0x48: {  	_ =	shalt  }
0x49: {  	_ =	shalt  }
0x4a: {  	_ =	shalt  }
0x4b: {  	_ =	shalt  }
0x4c: {  	_ =	shalt  }
0x4d: {  	_ =	shalt  }
0x4e: {  	_ =	shalt  }
0x4f: {  	_ =	shalt  }
0x50: {  	_ =	shalt  }
0x51: {  	_ =	shalt  }
0x52: {  	_ =	shalt  }
0x53: {  	_ =	shalt  }
0x54: {  	_ =	shalt  }
0x55: {  	_ =	shalt  }
0x56: {  	_ =	shalt  }
0x57: {  	_ =	shalt  }
0x58: {  	_ =	shalt  }
0x59: {  	_ =	shalt  }
0x5a: {  	_ =	shalt  }
0x5b: {  	_ =	shalt  }
0x5c: {  	_ =	shalt  }
0x5d: {  	_ =	shalt  }
0x5e: {  	_ =	shalt  }
0x5f: {  	_ =	shalt  }
0x60: {  	_ =	shalt  }
0x61: {  	_ =	shalt  }
0x62: {  	_ =	shalt  }
0x63: {  	_ =	shalt  }
0x64: {  	_ =	shalt  }
0x65: {  	_ =	shalt  }
0x66: {  	_ =	shalt  }
0x67: {  	_ =	shalt  }
0x68: {  	_ =	shalt  }
0x69: {  	_ =	shalt  }
0x6a: {  	_ =	shalt  }
0x6b: {  	_ =	shalt  }
0x6c: {  	_ =	shalt  }
0x6d: {  	_ =	shalt  }
0x6e: {  	_ =	shalt  }
0x6f: {  	_ =	shalt  }
0x70: {  	_ =	shalt  }
0x71: {  	_ =	shalt  }
0x72: {  	_ =	shalt  }
0x73: {  	_ =	shalt  }
0x74: {  	_ =	shalt  }
0x75: {  	_ =	shalt  }
0x76: {  	_ =	shalt  }
0x77: {  	_ =	shalt  }
0x78: {  	_ =	shalt  }
0x79: {  	_ =	shalt  }
0x7a: {  	_ =	shalt  }
0x7b: {  	_ =	shalt  }
0x7c: {  	_ =	shalt  }
0x7d: {  	_ =	shalt  }
0x7e: {  	_ =	shalt  }
0x7f: {  	_ =	shalt  }
0x80: {  	_ =	shalt  }
0x81: {  	_ =	shalt  }
0x82: {  	_ =	shalt  }
0x83: {  	_ =	shalt  }
0x84: {  	_ =	shalt  }
0x85: {  	_ =	shalt  }
0x86: {  	_ =	shalt  }
0x87: {  	_ =	shalt  }
.Lfunc_end0:
.L_simem_size_0:
called_computation.2_lowered:
.L_overlay_start_0:
0x88: {  	s2 =	sld [smem:$0x3FD9]  }
0x89: {  	s3 =	sld [smem:$0x3FFE];
	_ =	sdelay $0x1  }
0x8a: {  	s1 =	srdreg.scid  }
0x8b: {  	s0 =	sand.u32 $0x1, s1  }
0x8c: {  	s16 =	sshll.u32 s0, $0xA;
	s2 =	sadd.s32 s3, s2  }
0x8d: {  	s2 =	sadd.s32 s2, s16  }
0x8e: {  	[smem:$0x3FBD] =	sst s2  }
0x8f: {  	_ = 	snop  }
0x90: {  	(tm) =	ssettm $0x1  }
0x91: {  	s17 =	sld [smem:$0x3FFB];
	_ =	sdelay $0x3  }
0x92: {  	_ =	strace s17  }
0x93: {  	s2 =	sld [smem:$0x3FFC];
	_ =	sdelay $0x3  }
0x94: {  	_ =	strace s2  }
0x95: {  	s2 =	sld [smem:$0x3FFD];
	_ =	sdelay $0x3  }
0x96: {  	_ =	strace s2  }
0x97: {  	_ =	strace $0x8FFFFFFF  }
0x98: {  	s18 =	sld [smem:$0x3FDB];
	_ =	sdelay $0x1  }
0x99: {  	s19 =	simm.s32 $_scs_section_size  }
0x9a: {  	s4 =	simm.s32 $_size__tile_overlayer_lowered;
	s5 =	simm.s32 $_tile_overlayer_lowered  }
0x9b: {  	s22 =	simm.s32 $0x1BFF;
	s21 =	sshll.u32 s5, $0x1;
	s2 =	sadd.s32 s19, s18  }
0x9c: {  	s6 =	simm.s32 $0x0;
	s20 =	sshll.u32 s4, $0x1;
	s4 =	sadd.s32 s21, s2  }
0x9d: {  	[timem:s6], [sflag:s22] =	dma.local [hbm:s4], s20  }
0x9e: {  	_ =	swait.ge [sflag:s22], s20  }
0x9f: {  	s3 =	ssub.s32 $0x0, s20;
	[sflag:s22] =	ssyncset.done $0x0  }
0xa0: {  	[sflag:s22] =	ssyncadd.s32 s3;
	_ =	sdelay $0x1  }
0xa1: {  	s23 =	simm.s32 $0x1B8B  }
0xa2: {  	_ =	swait.ge [sflag:s23], $0x1  }
0xa3: {  	[sflag:s23] =	ssyncset.done $0x0  }
0xa4: {  	s25 =	simm.s32 $0x1B8E;
	s24 =	sld [smem:$0x3FFE];
	[sflag:s23] =	ssyncadd.s32 $0xFFFFFFFF  }
0xa5: {  	s26 =	simm.s32 $execute0_lowered;
	[smem:$0x3FD2] =	sst s25  }
0xa6: {  	s4 =	sshll.u32 s26, $0x1;
	_ =	strace $0x8000004C;
	[dreg:$0x1] =	wrdreg $0xFFFFFFFF  }
0xa7: {  	s28 =	simm.s32 $_size_execute0_lowered;
	s2 =	sadd.s32 s2, s4;
	[dreg:$0x0] =	wrdreg $0x0  }
0xa8: {  	s4 =	sshll.u32 s28, $0x1;
	[dreg:$0x2] =	wrdreg s2  }
0xa9: {  	[dreg:$0x3] =	wrdreg s4  }
0xaa: {  	[dreg:$0x4] =	wrdreg $0xC0  }
0xab: {  	_ =	task [dreg:s6], $0x5FFFF  }
0xac: {  	[dreg:$0x1] =	wrdreg $0xFFFFFFFF  }
0xad: {  	[dreg:$0x0] =	wrdreg $0x60  }
0xae: {  	[dreg:$0x2] =	wrdreg s24  }
0xaf: {  	[dreg:$0x3] =	wrdreg $0x90000  }
0xb0: {  	[dreg:$0x4] =	wrdreg $0x9  }
0xb1: {  	_ =	task.clear_ibuf [dreg:s6], $0x5FFFF;
	_ =	strace $0x9000004C  }
0xb2: {  	s29 =	simm.s32 $0x9;
	_ =	strace $0x8000004E  }
0xb3: {  	_ =	swait.ge [sflag:s29], $0x1  }
0xb4: {  	[sflag:s29] =	ssyncadd.s32 $0xFFFFFFFF  }
0xb5: {  	_ =	strace $0x9000004E  }
0xb6: {  	_ =	sfence  }
0xb7: {  	s30 =	sld [smem:$0x0];
	_ =	sdelay $0x2  }
0xb8: {  	s31 =	sshll.u32 s1, $0xD;
	s1 =	sshrl.u32 s1, $0x2  }
0xb9: {  	s3 =	sand.u32 $0x4000, s31;
	s1 =	sadd.s32 s1, s30  }
0xba: {  	s0 =	sor.u32 s3, s0;
	s1 =	sshll.u32 s1, $0x11  }
0xbb: {  	s0 =	sor.u32 s1, s0  }
0xbc: {  	s0 =	sadd.s32 $0x8F2B, s0  }
0xbd: {  	[sflag:s0] =	ssyncadd.remote.s32 $0x1  }
0xbe: {  	_ =	sfence.sel $0xFFFF  }
0xbf: {  	[dreg:$0x0] =	wrdreg $0xFFFFFFFF;
	(pc) =	sbr.abs _section_cstart, $3  }
0xc0: {  	[dreg:$0x1] =	wrdreg $0xFFFFFFFF  }
0xc1: {  	_ =	task.clear_ibuf [dreg:s6], $0x2FFFF;
	_ =	strace $0x9FFFFFFF  }
0xc2: {  	(tm) =	ssettm $0x7FFFFFFF  }
0xc3: {  	_ =	shalt  }
tec
execute0_lowered:
.L_overlay_start_1:
0x0: {  	(tag) =	ssettag $0x1  }
0x1: {  	s0 =	srdreg.scid;
	s6 =	rddreg [dreg:$0x0]  }
0x2: {  	s2 =	rddreg [dreg:$0x1];
	s3 =	simm.s32 $0x0;
	s14 =	simm.s32 $0x80  }
0x3: {  	s15 =	simm.s32 $0x5000;
	s5 =	sand.u32 $0x1, s0;
	s0 =	stileid.u32  }
0x4: {  	s16 =	simm.s32 $0x1;
	s17 =	simm.s32 $0x0;
	s8 =	smul.u32 $0x14000, s0  }
0x5: {  	[smem:$0x7FF] =	sst s3;
	s1 =	sshll.u32 s5, $0x4;
	s9 =	smul.u32 $0x140000, s5  }
0x6: {  	s5 =	ssub.s32 $0x2, s5;
	s29 =	smul.u32 $0x50000, s0;
	s31 =	sshll.u32 s0, $0x6  }
0x7: {  	s4 =	sor.u32 s0, s1;
	s1 =	rddreg [dreg:$0x2];
	_ =	strace $0x8000004D  }
0x8: {  	s11 =	sshrl.u32 s5, $0x1;
	s7 =	smul.u32 $0x500, s4;
	s4 =	sadd.s32 $0x40C00, s6  }
0x9: {  	s28 =	sshrl.u32 s8, $0x3;
	s8 =	sadd.s32 s8, s9;
	s30 =	sshrl.u32 s29, $0x2  }
0xa: {  	s11 =	ssub.s32 s5, s11;
	s8 =	sshrl.u32 s8, $0x3;
	s13 =	sadd.s32 s30, s2  }
0xb: {  	s10 =	sadd.s32 s7, s6;
	s7 =	sadd.s32 s28, s6;
	s12 =	sadd.s32 s8, s6  }
0xc: {  	s6 =	sor.u32 $0x1C02, s31;
	s5 =	sadd.s32 $0x18C00, s7;
	s7 =	sadd.s32 $0xEC00, s10  }
0xd: {  	s8 =	sadd.s32 $0x4C00, s10;
	s9 =	sadd.s32 $0x91400, s12;
	s10 =	smax.u32 s11, $0x1  }
0xe: {  	s11 =	sshrl.u32 s13, $0x3;
	s12 =	simm.s32 $0x2;
	s13 =	simm.s32 $0x2800  }
.LBB2_1:
0xf: {  	[spmem:s11], [sflag:s6] =	dma.local [hbm:s5], $0x2800  }
0x10: {  	_ =	swait.ge [sflag:s12], $0x2800  }
0x11: {  	[sflag:s12] =	ssyncset.done $0x0  }
0x12: {  	[sflag:s12] =	ssyncadd.s32 $0xFFFFD800  }
0x13: {  	[bflag:$0x0] =	sbarrier.arrive $0xFFFF  }
0x14: {  	[tilespmem:s3], [sflag:$0x2] =	stream.linear.gather [hbm4b:s7+s3], $0x2780, $0x38;
	[tilespmem:$0x1D000] =	vst v63  }
0x15: {  	_ =	swait.ge [sflag:s12], $0x2780  }
0x16: {  	[sflag:s12] =	ssyncset.done $0x0  }
0x17: {  	[sflag:s12] =	ssyncadd.s32 $0xFFFFD880  }
0x18: {  	[tilespmem:s13], [sflag:$0x2] =	stream.linear.gather [hbm4b:s8+s3], $0x2780, $0x38;
	[tilespmem:$0x1D000] =	vst v63  }
0x19: {  	_ =	swait.ge [sflag:s12], $0x2780  }
0x1a: {  	[sflag:s12] =	ssyncset.done $0x0  }
0x1b: {  	s18 =	simm.s32 $0x0;
	[sflag:s12] =	ssyncadd.s32 $0xFFFFD880  }
0x1c: {  	[tilespmem:s15], [sflag:$0x1] =	stream.indirect.gather [hbm4b:s4+s14], $0x80, s18, s14, $0xb8;
	[tilespmem:$0x1D000] =	vst v63  }
0x1d: {  	_ =	swait.ge [sflag:s16], $0x4000  }
0x1e: {  	[sflag:s16] =	ssyncset.done $0x0  }
0x1f: {  	s31 =	simm.s32 $0x2800;
	[sflag:s16] =	ssyncadd.s32 $0xFFFFC000  }
0x20: {  	[spmem:s2] =	stream.indirect.scatter.add.f32 [tilespmem:s15], [sflag:$0x2], $0x80, s31, s14, $0xb8;
	[tilespmem:$0x1D000] =	vst v63  }
0x21: {  	_ =	swait.ge [sflag:s12], $0x4000  }
0x22: {  	s19 =	simm.s32 $0x400;
	s18 =	simm.s32 $0x200;
	[sflag:s12] =	ssyncset.done $0x0  }
.LBB2_2:
0x23: {  	s20 =	sshra.s32 s18, $0x2  }
0x24: {  	[sflag:s12] =	ssyncadd.s32 $0xFFFFC000;
	s18 =	smov.u32 s19;
	s21 =	sadd.s32 $0x200, s19  }
0x25: {  	[tilespmem:s15], [sflag:$0x1] =	stream.indirect.gather [hbm4b:s4+s14], $0x80, s20, s14, $0xb8;
	[tilespmem:$0x1D000] =	vst v63  }
0x26: {  	p0 =	sne.s32 s19, $0x9C00;
	_ =	swait.ge [sflag:s16], $0x4000  }
.Ltmp0:
0x27: {  	[sflag:s16] =	ssyncset.done $0x0;
	(pc) =	sbr.rel @p0 .LBB2_2-.Ltmp0, $4  }
0x28: {  	s19 =	sadd.s32 $0x2800, s20;
	[sflag:s16] =	ssyncadd.s32 $0xFFFFC000  }
0x29: {  	[spmem:s2] =	stream.indirect.scatter.add.f32 [tilespmem:s15], [sflag:$0x2], $0x80, s19, s14, $0xb8;
	[tilespmem:$0x1D000] =	vst v63  }
0x2a: {  	_ =	swait.ge [sflag:s12], $0x4000  }
0x2b: {  	s19 =	smov.u32 s21;
	[sflag:s12] =	ssyncset.done $0x0  }
0x2c: {  	s18 =	sshra.s32 s18, $0x2;
	[sflag:s12] =	ssyncadd.s32 $0xFFFFC000  }
0x2d: {  	[tilespmem:s15], [sflag:$0x1] =	stream.indirect.gather [hbm4b:s4+s14], $0x80, s18, s14, $0xb8;
	[tilespmem:$0x1D000] =	vst v63  }
0x2e: {  	_ =	swait.ge [sflag:s16], $0x4000  }
0x2f: {  	[sflag:s16] =	ssyncset.done $0x0  }
0x30: {  	s18 =	sadd.s32 $0x2800, s18;
	[sflag:s16] =	ssyncadd.s32 $0xFFFFC000  }
0x31: {  	[spmem:s2] =	stream.indirect.scatter.add.f32 [tilespmem:s15], [sflag:$0x2], $0x80, s18, s14, $0xb8;
	[tilespmem:$0x1D000] =	vst v63  }
0x32: {  	_ =	swait.ge [sflag:s12], $0x4000  }
0x33: {  	s17 =	sadd.s32 $0x1, s17;
	[sflag:s12] =	ssyncset.done $0x0  }
0x34: {  	p0 =	sne.s32 s17, s10;
	[sflag:s12] =	ssyncadd.s32 $0xFFFFC000  }
.Ltmp1:
0x35: {  	[bflag:$0x0] =	sbarrier.arrive $0xFFFF;
	(pc) =	sbr.rel @p0 .LBB2_1-.Ltmp1, $4  }
0x36: {  	[hbm:s9], [sflag:s6] =	dma.local [spmem:s11], $0x2800  }
0x37: {  	_ =	swait.ge [sflag:s12], $0x2800  }
0x38: {  	[sflag:s12] =	ssyncset.done $0x0  }
0x39: {  	[sflag:s12] =	ssyncadd.s32 $0xFFFFD800  }
0x3a: {  	_ =	sfence.sel $0x180000  }
0x3b: {  	[bflag:$0x0] =	sbarrier.arrive $0xFFFF  }
0x3c: {  	p0 =	sne.s32 s0, $0x0;
	_ =	strace $0x9000004D  }
0x3d: {  	s0 =	sadd.s32 @!p0 $0x100000, s1;
	[bflag:$0x2] =	sbarrier.arrive $0xFFFF  }
0x3e: {  	[sflag:s0] =	ssyncadd.tile.s32 @!p0 $0x1;
	_ =	shalt  }
.Lfunc_end2:
_tile_overlayer_lowered:
.L_overlay_start_2:
0x3f: {  	(tag) =	ssettag $0x2  }
0x40: {  	s0 =	rddreg [dreg:$0x0];
	s2 =	stileid.u32  }
0x41: {  	s1 =	rddreg [dreg:$0x1];
	p0 =	sne.s32 s2, $0x0  }
0x42: {  	s3 =	rddreg [dreg:$0x2];
	[bflag:$0x3] =	sbarrier.arrive $0xFFFF;
	s2 =	simm.s32 @!p0 $0x1C02  }
0x43: {  	[timem:s3], [sflag:s2] =	dma.local @!p0 [hbm:s0], s1  }
0x44: {  	s0 =	simm.s32 @!p0 $0x2  }
0x45: {  	_ =	swait.ge @!p0 [sflag:s0], s1  }
0x46: {  	s1 =	ssub.s32 @!p0 $0x0, s1;
	[sflag:s0] =	ssyncset.done @!p0 $0x0  }
0x47: {  	[sflag:s0] =	ssyncadd.s32 @!p0 s1  }
0x48: {  	[bflag:$0x3] =	sbarrier.arrive $0xFFFF  }
0x49: {  	_ =	shalt  }

// kernel: kernel.21.cloned.1.call-start
scs
__scs_entry_jumppad:
0x0: {  	(pc) =	sbr.rel $0x88, $3  }
0x1: {  	(tag) =	ssettag $0x0;
	lr =	simm.s32 $0x1  }
0x2: {  	[smem:$0x3F96] =	sst lr;
	_ =	strace $0xD0000000  }
0x3: {  	_ = 	snop  }
0x4: {  	_ = 	snop  }
0x5: {  	_ = 	snop  }
0x6: {  	_ = 	snop  }
0x7: {  	_ = 	snop  }
__scs_overlays_trampoline_lowered:
0x8: {  	[smem:$0x3FA5] =	sst s0  }
0x9: {  	[smem:$0x3FA6] =	sst s1  }
0xa: {  	[smem:$0x3FA7] =	sst s2  }
0xb: {  	[smem:$0x3FA8] =	sst s3  }
0xc: {  	[smem:$0x3FA9] =	sst s4  }
0xd: {  	[smem:$0x3FAA] =	sst s5  }
0xe: {  	[smem:$0x3FAB] =	sst s6  }
0xf: {  	[smem:$0x3FAC] =	sst s7  }
0x10: {  	[smem:$0x3FAD] =	sst s8  }
0x11: {  	[smem:$0x3FAE] =	sst s9;
	s0 =	simm.s32 @!p0 $0x0  }
0x12: {  	s1 =	sld [smem:$0x3F94];
	s0 =	simm.s32 @p0 $0x1  }
0x13: {  	[smem:$0x3FAF] =	sst s0;
	s0 =	simm.s32 @!p1 $0x0  }
0x14: {  	s2 =	sld [smem:$0x3F93];
	s0 =	simm.s32 @p1 $0x1  }
0x15: {  	[smem:$0x3FB0] =	sst s0;
	s0 =	simm.s32 @!p2 $0x0  }
0x16: {  	s3 =	sld [smem:$0x3FDB];
	s0 =	simm.s32 @p2 $0x1  }
0x17: {  	s4 =	simm.s32 $0x1BF5;
	[smem:$0x3FB2] =	sst s0  }
0x18: {  	s0 =	sld [smem:$0x3F95];
	_ =	swait.ge [sflag:s4], $0x0  }
0x19: {  	s7 =	sld [smem:$0x3F96]  }
0x1a: {  	s8 =	sadd.s32 $0xFFFFE003, lr  }
0x1b: {  	s9 =	sadd.s32 $0xFFFFFEF7, lr;
	s5 =	simm.s32 $0xFFFFFFFF;
	p2 =	slt.u32 s8, $0xFFFFF086  }
0x1c: {  	p1 =	slt.u32 s9, $0xF7A;
	s5 =	simm.s32 @!p2 $0x0  }
0x1d: {  	s5 =	simm.s32 @p1 $0x1;
	p0 =	seq.s32 s7, s2  }
0x1e: {  	s7 =	smul.u32 @!p0 $0xF7A, s2;
	p2 =	seq.s32 @!p0 s5, $0x0  }
0x1f: {  	s9 =	smul.u32 $0xF7A, s1;
	s8 =	simm.s32 @!p0 $0x1BF5;
	p2 =	por !p2, p0  }
0x20: {  	[sflag:s8] =	ssyncset.s32 @!p0 $0xFFFFF086;
	s6 =	sadd.s32 @!p0 s3, s7;
	s7 =	simm.s32 @!p0 $0x108  }
0x21: {  	s3 =	sadd.s32 s3, s9;
	s6 =	sadd.s32 @!p0 $0x88, s6;
	s7 =	simm.s32 @p2 $0x1082  }
0x22: {  	[simem:s7], [sflag:s8] =	dma.local @!p0 [hbm:s6], $0xF7A  }
0x23: {  	s9 =	sor.u32 $0xD0000000, s2;
	s6 =	simm.s32 $0x108;
	_ =	swait.ge @!p0 [sflag:s8], $0x0  }
0x24: {  	s3 =	sadd.s32 $0x88, s3;
	s6 =	simm.s32 @!p1 $0x1082;
	[sflag:s4] =	ssyncset.s32 $0xFFFFF086  }
0x25: {  	[simem:s6], [sflag:s4] =	dma.local [hbm:s3], $0xF7A  }
0x26: {  	[smem:$0x3F96] =	sst s1;
	(tag) =	ssettag s2;
	_ =	strace s9  }
0x27: {  	s1 =	sld [smem:$0x3FA6]  }
0x28: {  	s2 =	sld [smem:$0x3FA7]  }
0x29: {  	s4 =	sld [smem:$0x3FA9]  }
0x2a: {  	p0 =	seq.s32 s5, $0x0;
	s5 =	sld [smem:$0x3FAA]  }
0x2b: {  	s6 =	sld [smem:$0x3FAB]  }
0x2c: {  	s7 =	sld [smem:$0x3FAC]  }
0x2d: {  	s3 =	simm.s32 $0x108;
	s8 =	sld [smem:$0x3FAD]  }
0x2e: {  	s3 =	simm.s32 @!p0 $0x1082;
	s9 =	sld [smem:$0x3FAE]  }
0x2f: {  	lr =	sadd.s32 s0, s3;
	s0 =	sld [smem:$0x3FA5]  }
0x30: {  	s3 =	sld [smem:$0x3FA8]  }
0x31: {  	[smem:$0x3FB1] =	sst s10  }
0x32: {  	s10 =	sld [smem:$0x3FAF];
	_ =	sdelay $0x3  }
0x33: {  	p0 =	seq.s32 s10, $0x1;
	s10 =	sld [smem:$0x3FB1];
	_ =	sdelay $0x3  }
0x34: {  	[smem:$0x3FB1] =	sst s10  }
0x35: {  	s10 =	sld [smem:$0x3FB0];
	_ =	sdelay $0x3  }
0x36: {  	p1 =	seq.s32 s10, $0x1;
	s10 =	sld [smem:$0x3FB1];
	_ =	sdelay $0x3  }
0x37: {  	[smem:$0x3FB1] =	sst s10  }
0x38: {  	s10 =	sld [smem:$0x3FB2]  }
0x39: {  	_ = 	snop;
	(pc) =	sbr.ind lr, $3  }
0x3a: {  	_ = 	snop  }
0x3b: {  	_ = 	snop  }
0x3c: {  	p2 =	seq.s32 s10, $0x1;
	s10 =	sld [smem:$0x3FB1]  }
0x3d: {  	_ =	shalt  }
0x3e: {  	_ =	shalt  }
0x3f: {  	_ =	shalt  }
0x40: {  	_ =	shalt  }
0x41: {  	_ =	shalt  }
0x42: {  	_ =	shalt  }
0x43: {  	_ =	shalt  }
0x44: {  	_ =	shalt  }
0x45: {  	_ =	shalt  }
0x46: {  	_ =	shalt  }
0x47: {  	_ =	shalt  }
0x48: {  	_ =	shalt  }
0x49: {  	_ =	shalt  }
0x4a: {  	_ =	shalt  }
0x4b: {  	_ =	shalt  }
0x4c: {  	_ =	shalt  }
0x4d: {  	_ =	shalt  }
0x4e: {  	_ =	shalt  }
0x4f: {  	_ =	shalt  }
0x50: {  	_ =	shalt  }
0x51: {  	_ =	shalt  }
0x52: {  	_ =	shalt  }
0x53: {  	_ =	shalt  }
0x54: {  	_ =	shalt  }
0x55: {  	_ =	shalt  }
0x56: {  	_ =	shalt  }
0x57: {  	_ =	shalt  }
0x58: {  	_ =	shalt  }
0x59: {  	_ =	shalt  }
0x5a: {  	_ =	shalt  }
0x5b: {  	_ =	shalt  }
0x5c: {  	_ =	shalt  }
0x5d: {  	_ =	shalt  }
0x5e: {  	_ =	shalt  }
0x5f: {  	_ =	shalt  }
0x60: {  	_ =	shalt  }
0x61: {  	_ =	shalt  }
0x62: {  	_ =	shalt  }
0x63: {  	_ =	shalt  }
0x64: {  	_ =	shalt  }
0x65: {  	_ =	shalt  }
0x66: {  	_ =	shalt  }
0x67: {  	_ =	shalt  }
0x68: {  	_ =	shalt  }
0x69: {  	_ =	shalt  }
0x6a: {  	_ =	shalt  }
0x6b: {  	_ =	shalt  }
0x6c: {  	_ =	shalt  }
0x6d: {  	_ =	shalt  }
0x6e: {  	_ =	shalt  }
0x6f: {  	_ =	shalt  }
0x70: {  	_ =	shalt  }
0x71: {  	_ =	shalt  }
0x72: {  	_ =	shalt  }
0x73: {  	_ =	shalt  }
0x74: {  	_ =	shalt  }
0x75: {  	_ =	shalt  }
0x76: {  	_ =	shalt  }
0x77: {  	_ =	shalt  }
0x78: {  	_ =	shalt  }
0x79: {  	_ =	shalt  }
0x7a: {  	_ =	shalt  }
0x7b: {  	_ =	shalt  }
0x7c: {  	_ =	shalt  }
0x7d: {  	_ =	shalt  }
0x7e: {  	_ =	shalt  }
0x7f: {  	_ =	shalt  }
0x80: {  	_ =	shalt  }
0x81: {  	_ =	shalt  }
0x82: {  	_ =	shalt  }
0x83: {  	_ =	shalt  }
0x84: {  	_ =	shalt  }
0x85: {  	_ =	shalt  }
0x86: {  	_ =	shalt  }
0x87: {  	_ =	shalt  }
.Lfunc_end0:
.L_simem_size_0:
called_computation.3_lowered:
.L_overlay_start_0:
0x88: {  	s2 =	sld [smem:$0x3FD9]  }
0x89: {  	s3 =	sld [smem:$0x3FFE];
	_ =	sdelay $0x1  }
0x8a: {  	s1 =	srdreg.scid  }
0x8b: {  	s0 =	sand.u32 $0x1, s1  }
0x8c: {  	s16 =	sshll.u32 s0, $0xA;
	s2 =	sadd.s32 s3, s2  }
0x8d: {  	s2 =	sadd.s32 s2, s16  }
0x8e: {  	[smem:$0x3FBD] =	sst s2  }
0x8f: {  	_ = 	snop  }
0x90: {  	(tm) =	ssettm $0x1  }
0x91: {  	s17 =	sld [smem:$0x3FFB];
	_ =	sdelay $0x3  }
0x92: {  	_ =	strace s17  }
0x93: {  	s2 =	sld [smem:$0x3FFC];
	_ =	sdelay $0x3  }
0x94: {  	_ =	strace s2  }
0x95: {  	s2 =	sld [smem:$0x3FFD];
	_ =	sdelay $0x3  }
0x96: {  	_ =	strace s2  }
0x97: {  	_ =	strace $0x8FFFFFFF  }
0x98: {  	s18 =	sld [smem:$0x3FDB];
	_ =	sdelay $0x1  }
0x99: {  	s19 =	simm.s32 $_scs_section_size  }
0x9a: {  	s4 =	simm.s32 $_size__tile_overlayer_lowered;
	s5 =	simm.s32 $_tile_overlayer_lowered  }
0x9b: {  	s22 =	simm.s32 $0x1BFF;
	s21 =	sshll.u32 s5, $0x1;
	s2 =	sadd.s32 s19, s18  }
0x9c: {  	s6 =	simm.s32 $0x0;
	s20 =	sshll.u32 s4, $0x1;
	s4 =	sadd.s32 s21, s2  }
0x9d: {  	[timem:s6], [sflag:s22] =	dma.local [hbm:s4], s20  }
0x9e: {  	_ =	swait.ge [sflag:s22], s20  }
0x9f: {  	s3 =	ssub.s32 $0x0, s20;
	[sflag:s22] =	ssyncset.done $0x0  }
0xa0: {  	[sflag:s22] =	ssyncadd.s32 s3;
	_ =	sdelay $0x1  }
0xa1: {  	s23 =	simm.s32 $0x1B8B  }
0xa2: {  	_ =	swait.ge [sflag:s23], $0x1  }
0xa3: {  	[sflag:s23] =	ssyncset.done $0x0  }
0xa4: {  	s25 =	simm.s32 $0x1B8E;
	s24 =	sld [smem:$0x3FFE];
	[sflag:s23] =	ssyncadd.s32 $0xFFFFFFFF  }
0xa5: {  	s26 =	simm.s32 $execute0_lowered;
	[smem:$0x3FD2] =	sst s25  }
0xa6: {  	s4 =	sshll.u32 s26, $0x1;
	_ =	strace $0x8000004F;
	[dreg:$0x1] =	wrdreg $0xFFFFFFFF  }
0xa7: {  	s28 =	simm.s32 $_size_execute0_lowered;
	s2 =	sadd.s32 s2, s4;
	[dreg:$0x0] =	wrdreg $0x0  }
0xa8: {  	s4 =	sshll.u32 s28, $0x1;
	[dreg:$0x2] =	wrdreg s2  }
0xa9: {  	[dreg:$0x3] =	wrdreg s4  }
0xaa: {  	[dreg:$0x4] =	wrdreg $0xC0  }
0xab: {  	_ =	task [dreg:s6], $0x5FFFF  }
0xac: {  	[dreg:$0x1] =	wrdreg $0xFFFFFFFF  }
0xad: {  	[dreg:$0x0] =	wrdreg $0x60  }
0xae: {  	[dreg:$0x2] =	wrdreg s24  }
0xaf: {  	[dreg:$0x3] =	wrdreg $0x90000  }
0xb0: {  	[dreg:$0x4] =	wrdreg $0x9  }
0xb1: {  	_ =	task.clear_ibuf [dreg:s6], $0x5FFFF;
	_ =	strace $0x9000004F  }
0xb2: {  	s29 =	simm.s32 $0x9;
	_ =	strace $0x80000051  }
0xb3: {  	_ =	swait.ge [sflag:s29], $0x1  }
0xb4: {  	[sflag:s29] =	ssyncadd.s32 $0xFFFFFFFF  }
0xb5: {  	_ =	strace $0x90000051  }
0xb6: {  	_ =	sfence  }
0xb7: {  	s30 =	sld [smem:$0x0];
	_ =	sdelay $0x2  }
0xb8: {  	s31 =	sshll.u32 s1, $0xD;
	s1 =	sshrl.u32 s1, $0x2  }
0xb9: {  	s3 =	sand.u32 $0x4000, s31;
	s1 =	sadd.s32 s1, s30  }
0xba: {  	s0 =	sor.u32 s3, s0;
	s1 =	sshll.u32 s1, $0x11  }
0xbb: {  	s0 =	sor.u32 s1, s0  }
0xbc: {  	s0 =	sadd.s32 $0x8F2B, s0  }
0xbd: {  	[sflag:s0] =	ssyncadd.remote.s32 $0x1  }
0xbe: {  	_ =	sfence.sel $0xFFFF  }
0xbf: {  	[dreg:$0x0] =	wrdreg $0xFFFFFFFF;
	(pc) =	sbr.abs _section_cstart, $3  }
0xc0: {  	[dreg:$0x1] =	wrdreg $0xFFFFFFFF  }
0xc1: {  	_ =	task.clear_ibuf [dreg:s6], $0x2FFFF;
	_ =	strace $0x9FFFFFFF  }
0xc2: {  	(tm) =	ssettm $0x7FFFFFFF  }
0xc3: {  	_ =	shalt  }
tec
execute0_lowered:
.L_overlay_start_1:
0x0: {  	(tag) =	ssettag $0x1  }
0x1: {  	s0 =	srdreg.scid;
	s6 =	rddreg [dreg:$0x0]  }
0x2: {  	s2 =	rddreg [dreg:$0x1];
	s3 =	simm.s32 $0x0;
	s14 =	simm.s32 $0x80  }
0x3: {  	s15 =	simm.s32 $0x5000;
	s5 =	sand.u32 $0x1, s0;
	s0 =	stileid.u32  }
0x4: {  	s16 =	simm.s32 $0x1;
	s17 =	simm.s32 $0x0;
	s8 =	smul.u32 $0x14000, s0  }
0x5: {  	[smem:$0x7FF] =	sst s3;
	s1 =	sshll.u32 s5, $0x4;
	s9 =	smul.u32 $0x140000, s5  }
0x6: {  	s5 =	ssub.s32 $0x2, s5;
	s29 =	smul.u32 $0x50000, s0;
	s31 =	sshll.u32 s0, $0x6  }
0x7: {  	s4 =	sor.u32 s0, s1;
	s1 =	rddreg [dreg:$0x2];
	_ =	strace $0x80000050  }
0x8: {  	s11 =	sshrl.u32 s5, $0x1;
	s7 =	smul.u32 $0x500, s4;
	s4 =	sadd.s32 $0x40C00, s6  }
0x9: {  	s28 =	sshrl.u32 s8, $0x3;
	s8 =	sadd.s32 s8, s9;
	s30 =	sshrl.u32 s29, $0x2  }
0xa: {  	s11 =	ssub.s32 s5, s11;
	s8 =	sshrl.u32 s8, $0x3;
	s13 =	sadd.s32 s30, s2  }
0xb: {  	s10 =	sadd.s32 s7, s6;
	s7 =	sadd.s32 s28, s6;
	s12 =	sadd.s32 s8, s6  }
0xc: {  	s6 =	sor.u32 $0x1C02, s31;
	s5 =	sadd.s32 $0x18C00, s7;
	s7 =	sadd.s32 $0xEC00, s10  }
0xd: {  	s8 =	sadd.s32 $0x4C00, s10;
	s9 =	sadd.s32 $0x91400, s12;
	s10 =	smax.u32 s11, $0x1  }
0xe: {  	s11 =	sshrl.u32 s13, $0x3;
	s12 =	simm.s32 $0x2;
	s13 =	simm.s32 $0x2800  }
.LBB2_1:
0xf: {  	[spmem:s11], [sflag:s6] =	dma.local [hbm:s5], $0x2800  }
0x10: {  	_ =	swait.ge [sflag:s12], $0x2800  }
0x11: {  	[sflag:s12] =	ssyncset.done $0x0  }
0x12: {  	[sflag:s12] =	ssyncadd.s32 $0xFFFFD800  }
0x13: {  	[bflag:$0x0] =	sbarrier.arrive $0xFFFF  }
0x14: {  	[tilespmem:s3], [sflag:$0x2] =	stream.linear.gather [hbm4b:s7+s3], $0x2780, $0x38;
	[tilespmem:$0x1D000] =	vst v63  }
0x15: {  	_ =	swait.ge [sflag:s12], $0x2780  }
0x16: {  	[sflag:s12] =	ssyncset.done $0x0  }
0x17: {  	[sflag:s12] =	ssyncadd.s32 $0xFFFFD880  }
0x18: {  	[tilespmem:s13], [sflag:$0x2] =	stream.linear.gather [hbm4b:s8+s3], $0x2780, $0x38;
	[tilespmem:$0x1D000] =	vst v63  }
0x19: {  	_ =	swait.ge [sflag:s12], $0x2780  }
0x1a: {  	[sflag:s12] =	ssyncset.done $0x0  }
0x1b: {  	s18 =	simm.s32 $0x0;
	[sflag:s12] =	ssyncadd.s32 $0xFFFFD880  }
0x1c: {  	[tilespmem:s15], [sflag:$0x1] =	stream.indirect.gather [hbm4b:s4+s14], $0x80, s18, s14, $0xb8;
	[tilespmem:$0x1D000] =	vst v63  }
0x1d: {  	_ =	swait.ge [sflag:s16], $0x4000  }
0x1e: {  	[sflag:s16] =	ssyncset.done $0x0  }
0x1f: {  	s31 =	simm.s32 $0x2800;
	[sflag:s16] =	ssyncadd.s32 $0xFFFFC000  }
0x20: {  	[spmem:s2] =	stream.indirect.scatter.add.f32 [tilespmem:s15], [sflag:$0x2], $0x80, s31, s14, $0xb8;
	[tilespmem:$0x1D000] =	vst v63  }
0x21: {  	_ =	swait.ge [sflag:s12], $0x4000  }
0x22: {  	s19 =	simm.s32 $0x400;
	s18 =	simm.s32 $0x200;
	[sflag:s12] =	ssyncset.done $0x0  }
.LBB2_2:
0x23: {  	s20 =	sshra.s32 s18, $0x2  }
0x24: {  	[sflag:s12] =	ssyncadd.s32 $0xFFFFC000;
	s18 =	smov.u32 s19;
	s21 =	sadd.s32 $0x200, s19  }
0x25: {  	[tilespmem:s15], [sflag:$0x1] =	stream.indirect.gather [hbm4b:s4+s14], $0x80, s20, s14, $0xb8;
	[tilespmem:$0x1D000] =	vst v63  }
0x26: {  	p0 =	sne.s32 s19, $0x9C00;
	_ =	swait.ge [sflag:s16], $0x4000  }
.Ltmp0:
0x27: {  	[sflag:s16] =	ssyncset.done $0x0;
	(pc) =	sbr.rel @p0 .LBB2_2-.Ltmp0, $4  }
0x28: {  	s19 =	sadd.s32 $0x2800, s20;
	[sflag:s16] =	ssyncadd.s32 $0xFFFFC000  }
0x29: {  	[spmem:s2] =	stream.indirect.scatter.add.f32 [tilespmem:s15], [sflag:$0x2], $0x80, s19, s14, $0xb8;
	[tilespmem:$0x1D000] =	vst v63  }
0x2a: {  	_ =	swait.ge [sflag:s12], $0x4000  }
0x2b: {  	s19 =	smov.u32 s21;
	[sflag:s12] =	ssyncset.done $0x0  }
0x2c: {  	s18 =	sshra.s32 s18, $0x2;
	[sflag:s12] =	ssyncadd.s32 $0xFFFFC000  }
0x2d: {  	[tilespmem:s15], [sflag:$0x1] =	stream.indirect.gather [hbm4b:s4+s14], $0x80, s18, s14, $0xb8;
	[tilespmem:$0x1D000] =	vst v63  }
0x2e: {  	_ =	swait.ge [sflag:s16], $0x4000  }
0x2f: {  	[sflag:s16] =	ssyncset.done $0x0  }
0x30: {  	s18 =	sadd.s32 $0x2800, s18;
	[sflag:s16] =	ssyncadd.s32 $0xFFFFC000  }
0x31: {  	[spmem:s2] =	stream.indirect.scatter.add.f32 [tilespmem:s15], [sflag:$0x2], $0x80, s18, s14, $0xb8;
	[tilespmem:$0x1D000] =	vst v63  }
0x32: {  	_ =	swait.ge [sflag:s12], $0x4000  }
0x33: {  	s17 =	sadd.s32 $0x1, s17;
	[sflag:s12] =	ssyncset.done $0x0  }
0x34: {  	p0 =	sne.s32 s17, s10;
	[sflag:s12] =	ssyncadd.s32 $0xFFFFC000  }
.Ltmp1:
0x35: {  	[bflag:$0x0] =	sbarrier.arrive $0xFFFF;
	(pc) =	sbr.rel @p0 .LBB2_1-.Ltmp1, $4  }
0x36: {  	[hbm:s9], [sflag:s6] =	dma.local [spmem:s11], $0x2800  }
0x37: {  	_ =	swait.ge [sflag:s12], $0x2800  }
0x38: {  	[sflag:s12] =	ssyncset.done $0x0  }
0x39: {  	[sflag:s12] =	ssyncadd.s32 $0xFFFFD800  }
0x3a: {  	_ =	sfence.sel $0x180000  }
0x3b: {  	[bflag:$0x0] =	sbarrier.arrive $0xFFFF  }
0x3c: {  	p0 =	sne.s32 s0, $0x0;
	_ =	strace $0x90000050  }
0x3d: {  	s0 =	sadd.s32 @!p0 $0x100000, s1;
	[bflag:$0x2] =	sbarrier.arrive $0xFFFF  }
0x3e: {  	[sflag:s0] =	ssyncadd.tile.s32 @!p0 $0x1;
	_ =	shalt  }
.Lfunc_end2:
_tile_overlayer_lowered:
.L_overlay_start_2:
0x3f: {  	(tag) =	ssettag $0x2  }
0x40: {  	s0 =	rddreg [dreg:$0x0];
	s2 =	stileid.u32  }
0x41: {  	s1 =	rddreg [dreg:$0x1];
	p0 =	sne.s32 s2, $0x0  }
0x42: {  	s3 =	rddreg [dreg:$0x2];
	[bflag:$0x3] =	sbarrier.arrive $0xFFFF;
	s2 =	simm.s32 @!p0 $0x1C02  }
0x43: {  	[timem:s3], [sflag:s2] =	dma.local @!p0 [hbm:s0], s1  }
0x44: {  	s0 =	simm.s32 @!p0 $0x2  }
0x45: {  	_ =	swait.ge @!p0 [sflag:s0], s1  }
0x46: {  	s1 =	ssub.s32 @!p0 $0x0, s1;
	[sflag:s0] =	ssyncset.done @!p0 $0x0  }
0x47: {  	[sflag:s0] =	ssyncadd.s32 @!p0 s1  }
0x48: {  	[bflag:$0x3] =	sbarrier.arrive $0xFFFF  }
0x49: {  	_ =	shalt  }

// kernel: kernel.24.cloned.1.call-start
scs
__scs_entry_jumppad:
0x0: {  	(pc) =	sbr.rel $0x88, $3  }
0x1: {  	(tag) =	ssettag $0x0;
	lr =	simm.s32 $0x1  }
0x2: {  	[smem:$0x3F96] =	sst lr;
	_ =	strace $0xD0000000  }
0x3: {  	_ = 	snop  }
0x4: {  	_ = 	snop  }
0x5: {  	_ = 	snop  }
0x6: {  	_ = 	snop  }
0x7: {  	_ = 	snop  }
__scs_overlays_trampoline_lowered:
0x8: {  	[smem:$0x3FA5] =	sst s0  }
0x9: {  	[smem:$0x3FA6] =	sst s1  }
0xa: {  	[smem:$0x3FA7] =	sst s2  }
0xb: {  	[smem:$0x3FA8] =	sst s3  }
0xc: {  	[smem:$0x3FA9] =	sst s4  }
0xd: {  	[smem:$0x3FAA] =	sst s5  }
0xe: {  	[smem:$0x3FAB] =	sst s6  }
0xf: {  	[smem:$0x3FAC] =	sst s7  }
0x10: {  	[smem:$0x3FAD] =	sst s8  }
0x11: {  	[smem:$0x3FAE] =	sst s9;
	s0 =	simm.s32 @!p0 $0x0  }
0x12: {  	s1 =	sld [smem:$0x3F94];
	s0 =	simm.s32 @p0 $0x1  }
0x13: {  	[smem:$0x3FAF] =	sst s0;
	s0 =	simm.s32 @!p1 $0x0  }
0x14: {  	s2 =	sld [smem:$0x3F93];
	s0 =	simm.s32 @p1 $0x1  }
0x15: {  	[smem:$0x3FB0] =	sst s0;
	s0 =	simm.s32 @!p2 $0x0  }
0x16: {  	s3 =	sld [smem:$0x3FDB];
	s0 =	simm.s32 @p2 $0x1  }
0x17: {  	s4 =	simm.s32 $0x1BF5;
	[smem:$0x3FB2] =	sst s0  }
0x18: {  	s0 =	sld [smem:$0x3F95];
	_ =	swait.ge [sflag:s4], $0x0  }
0x19: {  	s7 =	sld [smem:$0x3F96]  }
0x1a: {  	s8 =	sadd.s32 $0xFFFFE003, lr  }
0x1b: {  	s9 =	sadd.s32 $0xFFFFFEF7, lr;
	s5 =	simm.s32 $0xFFFFFFFF;
	p2 =	slt.u32 s8, $0xFFFFF086  }
0x1c: {  	p1 =	slt.u32 s9, $0xF7A;
	s5 =	simm.s32 @!p2 $0x0  }
0x1d: {  	s5 =	simm.s32 @p1 $0x1;
	p0 =	seq.s32 s7, s2  }
0x1e: {  	s7 =	smul.u32 @!p0 $0xF7A, s2;
	p2 =	seq.s32 @!p0 s5, $0x0  }
0x1f: {  	s9 =	smul.u32 $0xF7A, s1;
	s8 =	simm.s32 @!p0 $0x1BF5;
	p2 =	por !p2, p0  }
0x20: {  	[sflag:s8] =	ssyncset.s32 @!p0 $0xFFFFF086;
	s6 =	sadd.s32 @!p0 s3, s7;
	s7 =	simm.s32 @!p0 $0x108  }
0x21: {  	s3 =	sadd.s32 s3, s9;
	s6 =	sadd.s32 @!p0 $0x88, s6;
	s7 =	simm.s32 @p2 $0x1082  }
0x22: {  	[simem:s7], [sflag:s8] =	dma.local @!p0 [hbm:s6], $0xF7A  }
0x23: {  	s9 =	sor.u32 $0xD0000000, s2;
	s6 =	simm.s32 $0x108;
	_ =	swait.ge @!p0 [sflag:s8], $0x0  }
0x24: {  	s3 =	sadd.s32 $0x88, s3;
	s6 =	simm.s32 @!p1 $0x1082;
	[sflag:s4] =	ssyncset.s32 $0xFFFFF086  }
0x25: {  	[simem:s6], [sflag:s4] =	dma.local [hbm:s3], $0xF7A  }
0x26: {  	[smem:$0x3F96] =	sst s1;
	(tag) =	ssettag s2;
	_ =	strace s9  }
0x27: {  	s1 =	sld [smem:$0x3FA6]  }
0x28: {  	s2 =	sld [smem:$0x3FA7]  }
0x29: {  	s4 =	sld [smem:$0x3FA9]  }
0x2a: {  	p0 =	seq.s32 s5, $0x0;
	s5 =	sld [smem:$0x3FAA]  }
0x2b: {  	s6 =	sld [smem:$0x3FAB]  }
0x2c: {  	s7 =	sld [smem:$0x3FAC]  }
0x2d: {  	s3 =	simm.s32 $0x108;
	s8 =	sld [smem:$0x3FAD]  }
0x2e: {  	s3 =	simm.s32 @!p0 $0x1082;
	s9 =	sld [smem:$0x3FAE]  }
0x2f: {  	lr =	sadd.s32 s0, s3;
	s0 =	sld [smem:$0x3FA5]  }
0x30: {  	s3 =	sld [smem:$0x3FA8]  }
0x31: {  	[smem:$0x3FB1] =	sst s10  }
0x32: {  	s10 =	sld [smem:$0x3FAF];
	_ =	sdelay $0x3  }
0x33: {  	p0 =	seq.s32 s10, $0x1;
	s10 =	sld [smem:$0x3FB1];
	_ =	sdelay $0x3  }
0x34: {  	[smem:$0x3FB1] =	sst s10  }
0x35: {  	s10 =	sld [smem:$0x3FB0];
	_ =	sdelay $0x3  }
0x36: {  	p1 =	seq.s32 s10, $0x1;
	s10 =	sld [smem:$0x3FB1];
	_ =	sdelay $0x3  }
0x37: {  	[smem:$0x3FB1] =	sst s10  }
0x38: {  	s10 =	sld [smem:$0x3FB2]  }
0x39: {  	_ = 	snop;
	(pc) =	sbr.ind lr, $3  }
0x3a: {  	_ = 	snop  }
0x3b: {  	_ = 	snop  }
0x3c: {  	p2 =	seq.s32 s10, $0x1;
	s10 =	sld [smem:$0x3FB1]  }
0x3d: {  	_ =	shalt  }
0x3e: {  	_ =	shalt  }
0x3f: {  	_ =	shalt  }
0x40: {  	_ =	shalt  }
0x41: {  	_ =	shalt  }
0x42: {  	_ =	shalt  }
0x43: {  	_ =	shalt  }
0x44: {  	_ =	shalt  }
0x45: {  	_ =	shalt  }
0x46: {  	_ =	shalt  }
0x47: {  	_ =	shalt  }
0x48: {  	_ =	shalt  }
0x49: {  	_ =	shalt  }
0x4a: {  	_ =	shalt  }
0x4b: {  	_ =	shalt  }
0x4c: {  	_ =	shalt  }
0x4d: {  	_ =	shalt  }
0x4e: {  	_ =	shalt  }
0x4f: {  	_ =	shalt  }
0x50: {  	_ =	shalt  }
0x51: {  	_ =	shalt  }
0x52: {  	_ =	shalt  }
0x53: {  	_ =	shalt  }
0x54: {  	_ =	shalt  }
0x55: {  	_ =	shalt  }
0x56: {  	_ =	shalt  }
0x57: {  	_ =	shalt  }
0x58: {  	_ =	shalt  }
0x59: {  	_ =	shalt  }
0x5a: {  	_ =	shalt  }
0x5b: {  	_ =	shalt  }
0x5c: {  	_ =	shalt  }
0x5d: {  	_ =	shalt  }
0x5e: {  	_ =	shalt  }
0x5f: {  	_ =	shalt  }
0x60: {  	_ =	shalt  }
0x61: {  	_ =	shalt  }
0x62: {  	_ =	shalt  }
0x63: {  	_ =	shalt  }
0x64: {  	_ =	shalt  }
0x65: {  	_ =	shalt  }
0x66: {  	_ =	shalt  }
0x67: {  	_ =	shalt  }
0x68: {  	_ =	shalt  }
0x69: {  	_ =	shalt  }
0x6a: {  	_ =	shalt  }
0x6b: {  	_ =	shalt  }
0x6c: {  	_ =	shalt  }
0x6d: {  	_ =	shalt  }
0x6e: {  	_ =	shalt  }
0x6f: {  	_ =	shalt  }
0x70: {  	_ =	shalt  }
0x71: {  	_ =	shalt  }
0x72: {  	_ =	shalt  }
0x73: {  	_ =	shalt  }
0x74: {  	_ =	shalt  }
0x75: {  	_ =	shalt  }
0x76: {  	_ =	shalt  }
0x77: {  	_ =	shalt  }
0x78: {  	_ =	shalt  }
0x79: {  	_ =	shalt  }
0x7a: {  	_ =	shalt  }
0x7b: {  	_ =	shalt  }
0x7c: {  	_ =	shalt  }
0x7d: {  	_ =	shalt  }
0x7e: {  	_ =	shalt  }
0x7f: {  	_ =	shalt  }
0x80: {  	_ =	shalt  }
0x81: {  	_ =	shalt  }
0x82: {  	_ =	shalt  }
0x83: {  	_ =	shalt  }
0x84: {  	_ =	shalt  }
0x85: {  	_ =	shalt  }
0x86: {  	_ =	shalt  }
0x87: {  	_ =	shalt  }
.Lfunc_end0:
.L_simem_size_0:
called_computation.4_lowered:
.L_overlay_start_0:
0x88: {  	s2 =	sld [smem:$0x3FD9]  }
0x89: {  	s3 =	sld [smem:$0x3FFE];
	_ =	sdelay $0x1  }
0x8a: {  	s1 =	srdreg.scid  }
0x8b: {  	s0 =	sand.u32 $0x1, s1  }
0x8c: {  	s16 =	sshll.u32 s0, $0xA;
	s2 =	sadd.s32 s3, s2  }
0x8d: {  	s2 =	sadd.s32 s2, s16  }
0x8e: {  	[smem:$0x3FBD] =	sst s2  }
0x8f: {  	_ = 	snop  }
0x90: {  	(tm) =	ssettm $0x1  }
0x91: {  	s17 =	sld [smem:$0x3FFB];
	_ =	sdelay $0x3  }
0x92: {  	_ =	strace s17  }
0x93: {  	s2 =	sld [smem:$0x3FFC];
	_ =	sdelay $0x3  }
0x94: {  	_ =	strace s2  }
0x95: {  	s2 =	sld [smem:$0x3FFD];
	_ =	sdelay $0x3  }
0x96: {  	_ =	strace s2  }
0x97: {  	_ =	strace $0x8FFFFFFF  }
0x98: {  	s18 =	sld [smem:$0x3FDB];
	_ =	sdelay $0x1  }
0x99: {  	s19 =	simm.s32 $_scs_section_size  }
0x9a: {  	s4 =	simm.s32 $_size__tile_overlayer_lowered;
	s5 =	simm.s32 $_tile_overlayer_lowered  }
0x9b: {  	s22 =	simm.s32 $0x1BFF;
	s21 =	sshll.u32 s5, $0x1;
	s2 =	sadd.s32 s19, s18  }
0x9c: {  	s6 =	simm.s32 $0x0;
	s20 =	sshll.u32 s4, $0x1;
	s4 =	sadd.s32 s21, s2  }
0x9d: {  	[timem:s6], [sflag:s22] =	dma.local [hbm:s4], s20  }
0x9e: {  	_ =	swait.ge [sflag:s22], s20  }
0x9f: {  	s3 =	ssub.s32 $0x0, s20;
	[sflag:s22] =	ssyncset.done $0x0  }
0xa0: {  	[sflag:s22] =	ssyncadd.s32 s3;
	_ =	sdelay $0x1  }
0xa1: {  	s23 =	simm.s32 $0x1B8B  }
0xa2: {  	_ =	swait.ge [sflag:s23], $0x1  }
0xa3: {  	[sflag:s23] =	ssyncset.done $0x0  }
0xa4: {  	s25 =	simm.s32 $0x1B8E;
	s24 =	sld [smem:$0x3FFE];
	[sflag:s23] =	ssyncadd.s32 $0xFFFFFFFF  }
0xa5: {  	s26 =	simm.s32 $execute0_lowered;
	[smem:$0x3FD2] =	sst s25  }
0xa6: {  	s4 =	sshll.u32 s26, $0x1;
	_ =	strace $0x80000052;
	[dreg:$0x1] =	wrdreg $0xFFFFFFFF  }
0xa7: {  	s28 =	simm.s32 $_size_execute0_lowered;
	s2 =	sadd.s32 s2, s4;
	[dreg:$0x0] =	wrdreg $0x0  }
0xa8: {  	s4 =	sshll.u32 s28, $0x1;
	[dreg:$0x2] =	wrdreg s2  }
0xa9: {  	[dreg:$0x3] =	wrdreg s4  }
0xaa: {  	[dreg:$0x4] =	wrdreg $0xC0  }
0xab: {  	_ =	task [dreg:s6], $0x5FFFF  }
0xac: {  	[dreg:$0x1] =	wrdreg $0xFFFFFFFF  }
0xad: {  	[dreg:$0x0] =	wrdreg $0x60  }
0xae: {  	[dreg:$0x2] =	wrdreg s24  }
0xaf: {  	[dreg:$0x3] =	wrdreg $0x90000  }
0xb0: {  	[dreg:$0x4] =	wrdreg $0x9  }
0xb1: {  	_ =	task.clear_ibuf [dreg:s6], $0x5FFFF;
	_ =	strace $0x90000052  }
0xb2: {  	s29 =	simm.s32 $0x9;
	_ =	strace $0x80000054  }
0xb3: {  	_ =	swait.ge [sflag:s29], $0x1  }
0xb4: {  	[sflag:s29] =	ssyncadd.s32 $0xFFFFFFFF  }
0xb5: {  	_ =	strace $0x90000054  }
0xb6: {  	_ =	sfence  }
0xb7: {  	s30 =	sld [smem:$0x0];
	_ =	sdelay $0x2  }
0xb8: {  	s31 =	sshll.u32 s1, $0xD;
	s1 =	sshrl.u32 s1, $0x2  }
0xb9: {  	s3 =	sand.u32 $0x4000, s31;
	s1 =	sadd.s32 s1, s30  }
0xba: {  	s0 =	sor.u32 s3, s0;
	s1 =	sshll.u32 s1, $0x11  }
0xbb: {  	s0 =	sor.u32 s1, s0  }
0xbc: {  	s0 =	sadd.s32 $0x8F2B, s0  }
0xbd: {  	[sflag:s0] =	ssyncadd.remote.s32 $0x1  }
0xbe: {  	_ =	sfence.sel $0xFFFF  }
0xbf: {  	[dreg:$0x0] =	wrdreg $0xFFFFFFFF;
	(pc) =	sbr.abs _section_cstart, $3  }
0xc0: {  	[dreg:$0x1] =	wrdreg $0xFFFFFFFF  }
0xc1: {  	_ =	task.clear_ibuf [dreg:s6], $0x2FFFF;
	_ =	strace $0x9FFFFFFF  }
0xc2: {  	(tm) =	ssettm $0x7FFFFFFF  }
0xc3: {  	_ =	shalt  }
tec
execute0_lowered:
.L_overlay_start_1:
0x0: {  	(tag) =	ssettag $0x1  }
0x1: {  	s0 =	srdreg.scid;
	s6 =	rddreg [dreg:$0x0]  }
0x2: {  	s2 =	rddreg [dreg:$0x1];
	s3 =	simm.s32 $0x0;
	s14 =	simm.s32 $0x80  }
0x3: {  	s15 =	simm.s32 $0x5000;
	s5 =	sand.u32 $0x1, s0;
	s0 =	stileid.u32  }
0x4: {  	s16 =	simm.s32 $0x1;
	s17 =	simm.s32 $0x0;
	s8 =	smul.u32 $0x14000, s0  }
0x5: {  	[smem:$0x7FF] =	sst s3;
	s1 =	sshll.u32 s5, $0x4;
	s9 =	smul.u32 $0x140000, s5  }
0x6: {  	s5 =	ssub.s32 $0x2, s5;
	s29 =	smul.u32 $0x50000, s0;
	s31 =	sshll.u32 s0, $0x6  }
0x7: {  	s4 =	sor.u32 s0, s1;
	s1 =	rddreg [dreg:$0x2];
	_ =	strace $0x80000053  }
0x8: {  	s11 =	sshrl.u32 s5, $0x1;
	s7 =	smul.u32 $0x500, s4;
	s4 =	sadd.s32 $0x40C00, s6  }
0x9: {  	s28 =	sshrl.u32 s8, $0x3;
	s8 =	sadd.s32 s8, s9;
	s30 =	sshrl.u32 s29, $0x2  }
0xa: {  	s11 =	ssub.s32 s5, s11;
	s8 =	sshrl.u32 s8, $0x3;
	s13 =	sadd.s32 s30, s2  }
0xb: {  	s10 =	sadd.s32 s7, s6;
	s7 =	sadd.s32 s28, s6;
	s12 =	sadd.s32 s8, s6  }
0xc: {  	s6 =	sor.u32 $0x1C02, s31;
	s5 =	sadd.s32 $0x18C00, s7;
	s7 =	sadd.s32 $0xEC00, s10  }
0xd: {  	s8 =	sadd.s32 $0x4C00, s10;
	s9 =	sadd.s32 $0x67E00, s12;
	s10 =	smax.u32 s11, $0x1  }
0xe: {  	s11 =	sshrl.u32 s13, $0x3;
	s12 =	simm.s32 $0x2;
	s13 =	simm.s32 $0x2800  }
.LBB2_1:
0xf: {  	[spmem:s11], [sflag:s6] =	dma.local [hbm:s5], $0x2800  }
0x10: {  	_ =	swait.ge [sflag:s12], $0x2800  }
0x11: {  	[sflag:s12] =	ssyncset.done $0x0  }
0x12: {  	[sflag:s12] =	ssyncadd.s32 $0xFFFFD800  }
0x13: {  	[bflag:$0x0] =	sbarrier.arrive $0xFFFF  }
0x14: {  	[tilespmem:s3], [sflag:$0x2] =	stream.linear.gather [hbm4b:s7+s3], $0x2780, $0x38;
	[tilespmem:$0x1D000] =	vst v63  }
0x15: {  	_ =	swait.ge [sflag:s12], $0x2780  }
0x16: {  	[sflag:s12] =	ssyncset.done $0x0  }
0x17: {  	[sflag:s12] =	ssyncadd.s32 $0xFFFFD880  }
0x18: {  	[tilespmem:s13], [sflag:$0x2] =	stream.linear.gather [hbm4b:s8+s3], $0x2780, $0x38;
	[tilespmem:$0x1D000] =	vst v63  }
0x19: {  	_ =	swait.ge [sflag:s12], $0x2780  }
0x1a: {  	[sflag:s12] =	ssyncset.done $0x0  }
0x1b: {  	s18 =	simm.s32 $0x0;
	[sflag:s12] =	ssyncadd.s32 $0xFFFFD880  }
0x1c: {  	[tilespmem:s15], [sflag:$0x1] =	stream.indirect.gather [hbm4b:s4+s14], $0x80, s18, s14, $0xb8;
	[tilespmem:$0x1D000] =	vst v63  }
0x1d: {  	_ =	swait.ge [sflag:s16], $0x4000  }
0x1e: {  	[sflag:s16] =	ssyncset.done $0x0  }
0x1f: {  	s31 =	simm.s32 $0x2800;
	[sflag:s16] =	ssyncadd.s32 $0xFFFFC000  }
0x20: {  	[spmem:s2] =	stream.indirect.scatter.add.f32 [tilespmem:s15], [sflag:$0x2], $0x80, s31, s14, $0xb8;
	[tilespmem:$0x1D000] =	vst v63  }
0x21: {  	_ =	swait.ge [sflag:s12], $0x4000  }
0x22: {  	s19 =	simm.s32 $0x400;
	s18 =	simm.s32 $0x200;
	[sflag:s12] =	ssyncset.done $0x0  }
.LBB2_2:
0x23: {  	s20 =	sshra.s32 s18, $0x2  }
0x24: {  	[sflag:s12] =	ssyncadd.s32 $0xFFFFC000;
	s18 =	smov.u32 s19;
	s21 =	sadd.s32 $0x200, s19  }
0x25: {  	[tilespmem:s15], [sflag:$0x1] =	stream.indirect.gather [hbm4b:s4+s14], $0x80, s20, s14, $0xb8;
	[tilespmem:$0x1D000] =	vst v63  }
0x26: {  	p0 =	sne.s32 s19, $0x9C00;
	_ =	swait.ge [sflag:s16], $0x4000  }
.Ltmp0:
0x27: {  	[sflag:s16] =	ssyncset.done $0x0;
	(pc) =	sbr.rel @p0 .LBB2_2-.Ltmp0, $4  }
0x28: {  	s19 =	sadd.s32 $0x2800, s20;
	[sflag:s16] =	ssyncadd.s32 $0xFFFFC000  }
0x29: {  	[spmem:s2] =	stream.indirect.scatter.add.f32 [tilespmem:s15], [sflag:$0x2], $0x80, s19, s14, $0xb8;
	[tilespmem:$0x1D000] =	vst v63  }
0x2a: {  	_ =	swait.ge [sflag:s12], $0x4000  }
0x2b: {  	s19 =	smov.u32 s21;
	[sflag:s12] =	ssyncset.done $0x0  }
0x2c: {  	s18 =	sshra.s32 s18, $0x2;
	[sflag:s12] =	ssyncadd.s32 $0xFFFFC000  }
0x2d: {  	[tilespmem:s15], [sflag:$0x1] =	stream.indirect.gather [hbm4b:s4+s14], $0x80, s18, s14, $0xb8;
	[tilespmem:$0x1D000] =	vst v63  }
0x2e: {  	_ =	swait.ge [sflag:s16], $0x4000  }
0x2f: {  	[sflag:s16] =	ssyncset.done $0x0  }
0x30: {  	s18 =	sadd.s32 $0x2800, s18;
	[sflag:s16] =	ssyncadd.s32 $0xFFFFC000  }
0x31: {  	[spmem:s2] =	stream.indirect.scatter.add.f32 [tilespmem:s15], [sflag:$0x2], $0x80, s18, s14, $0xb8;
	[tilespmem:$0x1D000] =	vst v63  }
0x32: {  	_ =	swait.ge [sflag:s12], $0x4000  }
0x33: {  	s17 =	sadd.s32 $0x1, s17;
	[sflag:s12] =	ssyncset.done $0x0  }
0x34: {  	p0 =	sne.s32 s17, s10;
	[sflag:s12] =	ssyncadd.s32 $0xFFFFC000  }
.Ltmp1:
0x35: {  	[bflag:$0x0] =	sbarrier.arrive $0xFFFF;
	(pc) =	sbr.rel @p0 .LBB2_1-.Ltmp1, $4  }
0x36: {  	[hbm:s9], [sflag:s6] =	dma.local [spmem:s11], $0x2800  }
0x37: {  	_ =	swait.ge [sflag:s12], $0x2800  }
0x38: {  	[sflag:s12] =	ssyncset.done $0x0  }
0x39: {  	[sflag:s12] =	ssyncadd.s32 $0xFFFFD800  }
0x3a: {  	_ =	sfence.sel $0x180000  }
0x3b: {  	[bflag:$0x0] =	sbarrier.arrive $0xFFFF  }
0x3c: {  	p0 =	sne.s32 s0, $0x0;
	_ =	strace $0x90000053  }
0x3d: {  	s0 =	sadd.s32 @!p0 $0x100000, s1;
	[bflag:$0x2] =	sbarrier.arrive $0xFFFF  }
0x3e: {  	[sflag:s0] =	ssyncadd.tile.s32 @!p0 $0x1;
	_ =	shalt  }
.Lfunc_end2:
_tile_overlayer_lowered:
.L_overlay_start_2:
0x3f: {  	(tag) =	ssettag $0x2  }
0x40: {  	s0 =	rddreg [dreg:$0x0];
	s2 =	stileid.u32  }
0x41: {  	s1 =	rddreg [dreg:$0x1];
	p0 =	sne.s32 s2, $0x0  }
0x42: {  	s3 =	rddreg [dreg:$0x2];
	[bflag:$0x3] =	sbarrier.arrive $0xFFFF;
	s2 =	simm.s32 @!p0 $0x1C02  }
0x43: {  	[timem:s3], [sflag:s2] =	dma.local @!p0 [hbm:s0], s1  }
0x44: {  	s0 =	simm.s32 @!p0 $0x2  }
0x45: {  	_ =	swait.ge @!p0 [sflag:s0], s1  }
0x46: {  	s1 =	ssub.s32 @!p0 $0x0, s1;
	[sflag:s0] =	ssyncset.done @!p0 $0x0  }
0x47: {  	[sflag:s0] =	ssyncadd.s32 @!p0 s1  }
0x48: {  	[bflag:$0x3] =	sbarrier.arrive $0xFFFF  }
0x49: {  	_ =	shalt  }

</sc_bundles>
